<compile_context>
chip_gen: v7x
topology: tpu7x:2x2x1
jax: 0.10.2.dev20260603
libtpu: 0.0.44.dev20260713+nightly
codegen_flags: <defaults>
</compile_context>

<pallas_src>
import functools

import jax
import jax.numpy as jnp
from jax import lax
from jax.experimental import pallas as pl
from jax.experimental.pallas import tpu as pltpu
from jax.experimental.pallas import tpu_sc as plsc

_B, _FEAT, _ZCH, _H, _W = 32, 384, 256, 16, 16
_HW = _H * _W
_N = _B * _HW
_CB0 = 512
_HI = jax.lax.Precision.HIGHEST
_DEF = jax.lax.Precision.DEFAULT


def _dot_bf16(a, b, dims):
  return lax.dot_general(a.astype(jnp.bfloat16), b.astype(jnp.bfloat16),
                         dims, preferred_element_type=jnp.float32)


def _argmin_first(scores):
  m = jnp.min(scores, axis=1, keepdims=True)
  io = jax.lax.broadcasted_iota(jnp.int32, scores.shape, 1)
  big = jnp.int32(scores.shape[1])
  idx = jnp.min(jnp.where(scores == m, io, big), axis=1)
  return idx, m


def _gsel(c, group_size):
  ng = c // group_size
  ci = lax.broadcasted_iota(jnp.int32, (c, ng), 0)
  gi = lax.broadcasted_iota(jnp.int32, (c, ng), 1)
  return (ci // group_size == gi).astype(jnp.float32)


def _group_norm_swish(x, group_size, scale_row, bias_row):
  t, c = x.shape
  sel = _gsel(c, group_size)
  cs = jnp.sum(x, axis=0, keepdims=True)
  cq = jnp.sum(x * x, axis=0, keepdims=True)
  cnt = jnp.float32(t * group_size)
  mu = lax.dot_general(cs, sel, (((1,), (0,)), ((), ())), precision=_HI) / cnt
  ex2 = lax.dot_general(cq, sel, (((1,), (0,)), ((), ())), precision=_HI) / cnt
  var = ex2 - mu * mu
  rstd = lax.rsqrt(var + 1e-6)
  mu_c = lax.dot_general(mu, sel, (((1,), (1,)), ((), ())), precision=_HI)
  rstd_c = lax.dot_general(rstd, sel, (((1,), (1,)), ((), ())), precision=_HI)
  a = scale_row * rstd_c
  b = bias_row - mu_c * a
  xn = x * a + b
  return xn / (1.0 + jnp.exp(-xn))


def _conv3x3(xpad_ref, w_ref, bias_row):
  accs = []
  for dj in (-1, 0, 1):
    acc = None
    for di in (-1, 0, 1):
      k = (di + 1) * 3 + (dj + 1)
      xs = xpad_ref[pl.ds(24 + 16 * di, _HW), :]
      p = _dot_bf16(xs, w_ref[k], (((1,), (0,)), ((), ())))
      acc = p if acc is None else acc + p
    accs.append(acc)
  jcol = lax.broadcasted_iota(jnp.int32, (_HW, 1), 0) % _W
  h = accs[1]
  h = h + jnp.where(jcol != 0, 1.0, 0.0) * pltpu.roll(accs[0], 1, 0)
  h = h + jnp.where(jcol != _W - 1, 1.0, 0.0) * pltpu.roll(accs[2], _HW - 1, 0)
  return h + bias_row


def _tables_body(cb0_r, cb1_r, cb2_r, cb3_r, a0_r, a1_r, a2_r,
                 t1_o, t2_o, t3_o, gcol_o, n0_o, tabs_o):
  c0 = cb0_r[...]
  c1 = cb1_r[...]
  c2 = cb2_r[...]
  c3 = cb3_r[...]
  n0 = jnp.sum(c0 * c0, axis=1, keepdims=True)
  n1 = jnp.sum(c1 * c1, axis=1, keepdims=True)
  n2 = jnp.sum(c2 * c2, axis=1, keepdims=True)
  n3 = jnp.sum(c3 * c3, axis=1, keepdims=True)

  def pdist(na, a, nb, b):
    return (na + nb.T) - 2.0 * _dot_bf16(a, b, (((1,), (1,)), ((), ())))

  def attn_t(attn, cb):
    return _dot_bf16(attn, cb, (((0,), (0,)), ((), ())))

  d01 = pdist(n0, c0, n1, c1)
  next1, min01 = _argmin_first(d01)
  cba0 = attn_t(a0_r[...], c0)
  al1 = jnp.sum((c1 - cba0) ** 2, axis=1, keepdims=True)

  d12 = pdist(n1, c1, n2, c2)
  next2, min12 = _argmin_first(d12)
  cba1 = attn_t(a1_r[...], c1)
  al2 = jnp.sum((c2 - cba1) ** 2, axis=1, keepdims=True)

  d23 = pdist(n2, c2, n3, c3)
  next3, min23 = _argmin_first(d23)
  cba2 = attn_t(a2_r[...], c2)
  al3 = jnp.sum((c3 - cba2) ** 2, axis=1, keepdims=True)

  def onehot(idx_col, n):
    io = lax.broadcasted_iota(jnp.int32, (idx_col.shape[0], n), 1)
    return (io == idx_col).astype(jnp.float32)

  def sel(oh, col):
    return lax.dot_general(oh, col, (((1,), (0,)), ((), ())), precision=_HI)

  t1i = next1[:, None]
  oh1 = onehot(t1i, 256)
  t2i = sel(oh1, next2[:, None].astype(jnp.float32)).astype(jnp.int32)
  oh2 = onehot(t2i, 128)
  t3i = sel(oh2, next3[:, None].astype(jnp.float32)).astype(jnp.int32)
  oh3 = onehot(t3i, 64)

  t1_o[...] = sel(oh1, c1)
  t2_o[...] = sel(oh2, c2)
  t3_o[...] = sel(oh3, c3)
  g = (2.0 * min01
       + sel(oh1, al1 + 2.0 * min12)
       + sel(oh2, al2 + 2.0 * min23)
       + sel(oh3, al3))
  gcol_o[...] = g
  n0_o[...] = n0
  tabs_o[...] = jnp.concatenate(
      [g.T, t1i.astype(jnp.float32).T, t2i.astype(jnp.float32).T,
       t3i.astype(jnp.float32).T,
       jnp.zeros((4, _CB0), jnp.float32)], axis=0)


def _tables(cb0, cb1, cb2, cb3, attn0, attn1, attn2):
  out_shapes = (
      jax.ShapeDtypeStruct((_CB0, _ZCH), jnp.float32),
      jax.ShapeDtypeStruct((_CB0, _ZCH), jnp.float32),
      jax.ShapeDtypeStruct((_CB0, _ZCH), jnp.float32),
      jax.ShapeDtypeStruct((_CB0, 1), jnp.float32),
      jax.ShapeDtypeStruct((_CB0, 1), jnp.float32),
      jax.ShapeDtypeStruct((8, _CB0), jnp.float32),
  )
  return pl.pallas_call(_tables_body, out_shape=out_shapes)(
      cb0, cb1, cb2, cb3, attn0, attn1, attn2)


def _main_body(xt_r, w1_r, w2_r, ns1_r, nb1_r, ns2_r, nb2_r, c1b_r, c2b_r,
               cb0t_r, cb0n2_r, tabs_r, idx_o, loss_o, xpad, hpad):
  b = pl.program_id(0)
  x = xt_r[0]
  xs = _group_norm_swish(x, _FEAT // 32, ns1_r[...], nb1_r[...])
  xpad[0:24, :] = jnp.zeros((24, _FEAT), jnp.float32)
  xpad[280:304, :] = jnp.zeros((24, _FEAT), jnp.float32)
  xpad[24:280, :] = xs
  h = _conv3x3(xpad, w1_r, c1b_r[...])
  hs = _group_norm_swish(h, _ZCH // 32, ns2_r[...], nb2_r[...])
  hpad[0:24, :] = jnp.zeros((24, _ZCH), jnp.float32)
  hpad[280:304, :] = jnp.zeros((24, _ZCH), jnp.float32)
  hpad[24:280, :] = hs
  z = _conv3x3(hpad, w2_r, c2b_r[...])

  zz = jnp.sum(z * z, axis=1, keepdims=True)
  scores = (zz + cb0n2_r[...]) - 2.0 * _dot_bf16(
      z, cb0t_r[...], (((1,), (0,)), ((), ())))
  idx, dmin = _argmin_first(scores)

  io = lax.broadcasted_iota(jnp.int32, (_HW, _CB0), 1)
  oh = (io == idx[:, None]).astype(jnp.float32)
  tabs = tabs_r[...]
  gsum = jnp.sum(oh * tabs[0:1, :])
  lsum = 2.0 * jnp.sum(dmin) + gsum
  idx1 = jnp.sum(oh * tabs[1:2, :], axis=1).astype(jnp.int32)
  idx2 = jnp.sum(oh * tabs[2:3, :], axis=1).astype(jnp.int32)
  idx3 = jnp.sum(oh * tabs[3:4, :], axis=1).astype(jnp.int32)
  idx_o[0] = jnp.concatenate(
      [idx.reshape(1, _HW), idx1.reshape(1, _HW), idx2.reshape(1, _HW),
       idx3.reshape(1, _HW), jnp.zeros((4, _HW), jnp.int32)], axis=0)

  @pl.when(b == 0)
  def _():
    loss_o[0, 0] = lsum

  @pl.when(b != 0)
  def _():
    loss_o[0, 0] += lsum


def _main(xt, w1r, w2r, ns1, nb1, ns2, nb2, c1b, c2b, cb0t, cb0n2, tabs):
  grid = (_B,)
  in_specs = [
      pl.BlockSpec((1, _HW, _FEAT), lambda b: (b, 0, 0)),
      pl.BlockSpec((9, _FEAT, _ZCH), lambda b: (0, 0, 0)),
      pl.BlockSpec((9, _ZCH, _ZCH), lambda b: (0, 0, 0)),
      pl.BlockSpec((1, _FEAT), lambda b: (0, 0)),
      pl.BlockSpec((1, _FEAT), lambda b: (0, 0)),
      pl.BlockSpec((1, _ZCH), lambda b: (0, 0)),
      pl.BlockSpec((1, _ZCH), lambda b: (0, 0)),
      pl.BlockSpec((1, _ZCH), lambda b: (0, 0)),
      pl.BlockSpec((1, _ZCH), lambda b: (0, 0)),
      pl.BlockSpec((_ZCH, _CB0), lambda b: (0, 0)),
      pl.BlockSpec((1, _CB0), lambda b: (0, 0)),
      pl.BlockSpec((8, _CB0), lambda b: (0, 0)),
  ]
  out_specs = [
      pl.BlockSpec((1, 8, _HW), lambda b: (b, 0, 0)),
      pl.BlockSpec(memory_space=pltpu.SMEM),
  ]
  out_shapes = [
      jax.ShapeDtypeStruct((_B, 8, _HW), jnp.int32),
      jax.ShapeDtypeStruct((1, 1), jnp.float32),
  ]
  scratch = [
      pltpu.VMEM((304, _FEAT), jnp.float32),
      pltpu.VMEM((304, _ZCH), jnp.float32),
  ]
  return pl.pallas_call(
      _main_body, grid=grid, in_specs=in_specs, out_specs=out_specs,
      out_shape=out_shapes, scratch_shapes=scratch)(
          xt, w1r, w2r, ns1, nb1, ns2, nb2, c1b, c2b, cb0t, cb0n2, tabs)



_NC, _NS = 2, 16
_NW = _NC * _NS
_CHUNK = _N // _NW


def _sc_gather_body(t0, t1, t2, t3, idx_hbm, o0, o1, o2, o3,
                    idx_v, rows_v, sem):
  wid = lax.axis_index("s") * _NC + lax.axis_index("c")
  base = wid * _CHUNK
  pltpu.sync_copy(idx_hbm.at[pl.ds(base, _CHUNK)], idx_v)
  for t_hbm, o_hbm in ((t0, o0), (t1, o1), (t2, o2), (t3, o3)):
    pltpu.async_copy(t_hbm.at[idx_v], rows_v, sem).wait()
    pltpu.sync_copy(rows_v, o_hbm.at[pl.ds(base, _CHUNK)])


@functools.cache
def _sc_gather():
  return pl.kernel(
      _sc_gather_body,
      mesh=plsc.VectorSubcoreMesh(core_axis_name="c", subcore_axis_name="s",
                                  num_cores=_NC, num_subcores=_NS),
      out_type=[jax.ShapeDtypeStruct((_N, _ZCH), jnp.float32)] * 4,
      scratch_types=[
          pltpu.VMEM((_CHUNK,), jnp.int32),
          pltpu.VMEM((_CHUNK, _ZCH), jnp.float32),
          pltpu.SemaphoreType.DMA,
      ],
  )


def kernel(x, norm1_scale, norm1_bias, conv1_w, conv1_b, norm2_scale,
           norm2_bias, conv2_w, conv2_b, cb0, cb1, cb2, cb3,
           attn0, attn1, attn2):
  xt = jnp.transpose(x.reshape(_B, _FEAT, _HW), (0, 2, 1))
  w1r = jnp.transpose(conv1_w, (2, 3, 1, 0)).reshape(9, _FEAT, _ZCH)
  w2r = jnp.transpose(conv2_w, (2, 3, 1, 0)).reshape(9, _ZCH, _ZCH)

  t1t, t2t, t3t, _gcol, n0c, tabs = _tables(cb0, cb1, cb2, cb3,
                                            attn0, attn1, attn2)
  idx_all, loss_pre = _main(
      xt, w1r, w2r,
      norm1_scale.reshape(1, _FEAT), norm1_bias.reshape(1, _FEAT),
      norm2_scale.reshape(1, _ZCH), norm2_bias.reshape(1, _ZCH),
      conv1_b.reshape(1, _ZCH), conv2_b.reshape(1, _ZCH),
      cb0.T, n0c.reshape(1, _CB0), tabs)

  idx0 = idx_all[:, 0, :].reshape(_N)
  outs = _sc_gather()(cb0, t1t, t2t, t3t, idx0)
  zqs = [jnp.transpose(o.reshape(_B, _H, _W, _ZCH), (0, 3, 1, 2))
         for o in outs]
  loss = loss_pre[0, 0] * jnp.float32(1.0 / (_N * _ZCH))
  inds = jnp.transpose(idx_all[:, 0:4, :], (1, 0, 2)).reshape(4, _B, _H, _W)
  return (zqs[0], zqs[1], zqs[2], zqs[3], loss, inds)

# --- scband reference (transcript-rebuilt; emitter-appended) ---
"""Pipeline reference for scband-hierarchy-vqmodulator-86912958202565 (READ-ONLY COPY).

The authoritative reference and input builder live on the scoring server;
editing this copy changes nothing except your own understanding.
"""

import jax, jax.numpy as jnp
import numpy as np

B, FEAT, ZCH, H, W = 32, 384, 256, 16, 16
CB_SIZES = (512, 256, 128, 64)
BETA = 1.0
GROUPS = 32


def _group_norm(x, scale, bias, eps=1e-6):
    b, c, h, w = x.shape
    xg = x.reshape(b, GROUPS, c // GROUPS, h, w)
    mu = xg.mean(axis=(2, 3, 4), keepdims=True)
    var = xg.var(axis=(2, 3, 4), keepdims=True)
    xg = (xg - mu) / jnp.sqrt(var + eps)
    return xg.reshape(b, c, h, w) * scale[None, :, None, None] + bias[None, :, None, None]


def _swish(x):
    return x * jax.nn.sigmoid(x)


def _conv(x, w, b):
    y = jax.lax.conv_general_dilated(x, w, (1, 1), 'SAME', dimension_numbers=('NCHW', 'OIHW', 'NCHW'))
    return y + b[None, :, None, None]


def _vq(zf, cb):
    d = jnp.sum(zf * zf, 1, keepdims=True) + jnp.sum(cb * cb, 1)[None, :] - 2.0 * (zf @ cb.T)
    idx = jnp.argmin(d, axis=1)
    zq = jnp.take(cb, idx, axis=0)
    sg = jax.lax.stop_gradient
    loss = BETA * jnp.mean((sg(zq) - zf) ** 2) + jnp.mean((zq - sg(zf)) ** 2)
    zq_st = zf + sg(zq - zf)
    return zq_st, zq, idx, loss


def setup_inputs(seed: int = 0):
    key = jax.random.key(seed)
    ks = jax.random.split(key, 12)
    inp = {}
    inp['x'] = jax.random.normal(ks[0], (B, FEAT, H, W), dtype=jnp.float32)
    inp['norm1_scale'] = jnp.ones((FEAT,), jnp.float32)
    inp['norm1_bias'] = jnp.zeros((FEAT,), jnp.float32)
    inp['conv1_w'] = jax.random.normal(ks[1], (ZCH, FEAT, 3, 3), jnp.float32) / np.float32(np.sqrt(FEAT * 9.0))
    inp['conv1_b'] = jnp.zeros((ZCH,), jnp.float32)
    inp['norm2_scale'] = jnp.ones((ZCH,), jnp.float32)
    inp['norm2_bias'] = jnp.zeros((ZCH,), jnp.float32)
    inp['conv2_w'] = jax.random.normal(ks[2], (ZCH, ZCH, 3, 3), jnp.float32) / np.float32(np.sqrt(ZCH * 9.0))
    inp['conv2_b'] = jnp.zeros((ZCH,), jnp.float32)
    for i, n in enumerate(CB_SIZES):
        cb = jax.random.normal(ks[3 + i], (n, ZCH), jnp.float32)
        inp['cb%d' % i] = cb / jnp.linalg.norm(cb, axis=1, keepdims=True)
    for i in range(3):
        inp['attn%d' % i] = jax.random.normal(ks[8 + i], (CB_SIZES[i], CB_SIZES[i + 1]), jnp.float32) / np.float32(np.sqrt(float(CB_SIZES[i])))
    return inp


def reference(x, norm1_scale, norm1_bias, conv1_w, conv1_b, norm2_scale, norm2_bias, conv2_w, conv2_b, cb0, cb1, cb2, cb3, attn0, attn1, attn2):
    h = _conv(_swish(_group_norm(x, norm1_scale, norm1_bias)), conv1_w, conv1_b)
    h = _conv(_swish(_group_norm(h, norm2_scale, norm2_bias)), conv2_w, conv2_b)
    b, c, hh, ww = h.shape
    z = jnp.transpose(h, (0, 2, 3, 1)).reshape(-1, c)
    cbs = [cb0, cb1, cb2, cb3]
    attns = [attn0, attn1, attn2]
    total_loss = jnp.float32(0.0)
    zq_levels = []
    inds = []
    zin = z
    for lvl in range(4):
        zq_st, zq_raw, idx, vloss = _vq(zin, cbs[lvl])
        total_loss = total_loss + vloss
        if lvl > 0:
            cb_attn = jnp.einsum('md,mn->nd', cbs[lvl - 1], attns[lvl - 1])
            zq2 = jnp.take(cb_attn, idx, axis=0)
            total_loss = total_loss + jnp.mean((zq_raw - zq2) ** 2)
        zq_levels.append(jnp.transpose(zq_st.reshape(b, hh, ww, c), (0, 3, 1, 2)))
        inds.append(idx.reshape(b, hh, ww))
        zin = zq_st
    return (zq_levels[0], zq_levels[1], zq_levels[2], zq_levels[3], total_loss, jnp.stack(inds))

if __name__ == "__main__":
    import jax
    _d = setup_inputs()
    print(jax.jit(kernel)(*tuple(_d.values())))

</pallas_src>

<mosaic_0001>
#map = affine_map<(d0, d1) -> (0, 0)>
#map1 = affine_map<(d0, d1) -> (0)>
module attributes {stable_mosaic.version = 14 : i64} {
  func.func @_sc_gather_body(%arg0: i32, %arg1: i32, %arg2: memref<512x256xf32, #tpu.memory_space<hbm>>, %arg3: memref<512x256xf32, #tpu.memory_space<hbm>>, %arg4: memref<512x256xf32, #tpu.memory_space<hbm>>, %arg5: memref<512x256xf32, #tpu.memory_space<hbm>>, %arg6: memref<8192xi32, #tpu.memory_space<hbm>>, %arg7: memref<8192x256xf32, #tpu.memory_space<hbm>>, %arg8: memref<8192x256xf32, #tpu.memory_space<hbm>>, %arg9: memref<8192x256xf32, #tpu.memory_space<hbm>>, %arg10: memref<8192x256xf32, #tpu.memory_space<hbm>>, %arg11: memref<256xi32, #tpu.memory_space<vmem>>, %arg12: memref<256x256xf32, #tpu.memory_space<vmem>>, %arg13: memref<!tpu.dma_semaphore, #tpu.memory_space<semaphore_mem>>) attributes {dimension_semantics = [#tpu.dimension_semantics<core_parallel>, #tpu.dimension_semantics<subcore_parallel>], iteration_bounds = array<i64: 2, 16>, scalar_prefetch = 0 : i64, scratch_operands = 3 : i64, tpu.core_type = #tpu.core_type<sc_vector_subcore>, window_params = [{transform_indices = #map}, {transform_indices = #map}, {transform_indices = #map}, {transform_indices = #map}, {transform_indices = #map1}, {transform_indices = #map}, {transform_indices = #map}, {transform_indices = #map}, {transform_indices = #map}]} {
    %mul3A = arith.constant 2 : i32
    %mul3A_0 = arith.muli %arg1, %mul3A : i32
    %add3A = arith.addi %mul3A_0, %arg0 : i32
    %mul3A_1 = arith.constant 256 : i32
    %mul3A_2 = arith.muli %add3A, %mul3A_1 : i32
    "tpu.region"() ({
      %run_scoped3A = tpu.sem_alloc : memref<!tpu.dma_semaphore, #tpu.memory_space<semaphore_mem>>
      %dma_start3A_25 = tpu.memref_slice %arg6[%mul3A_2] : memref<8192xi32, #tpu.memory_space<hbm>> -> memref<256xi32, #tpu.memory_space<hbm>>
      %dma_start3A_26 = tpu.memref_slice %arg6[%mul3A_2] : memref<8192xi32, #tpu.memory_space<hbm>> -> memref<256xi32, #tpu.memory_space<hbm>>
      tpu.enqueue_dma source(%dma_start3A_26 : memref<256xi32, #tpu.memory_space<hbm>>) target(%arg11 : memref<256xi32, #tpu.memory_space<vmem>>) target_semaphore(%run_scoped3A : memref<!tpu.dma_semaphore, #tpu.memory_space<semaphore_mem>>)
      %dma_wait3A_27 = tpu.memref_slice %arg6[%mul3A_2] : memref<8192xi32, #tpu.memory_space<hbm>> -> memref<256xi32, #tpu.memory_space<hbm>>
      %dma_wait3A_28 = tpu.memref_slice %arg6[%mul3A_2] : memref<8192xi32, #tpu.memory_space<hbm>> -> memref<256xi32, #tpu.memory_space<hbm>>
      tpu.wait_dma2 semaphore(%run_scoped3A : memref<!tpu.dma_semaphore, #tpu.memory_space<semaphore_mem>>) src(%dma_wait3A_28 : memref<256xi32, #tpu.memory_space<hbm>>) dst(%arg11 : memref<256xi32, #tpu.memory_space<vmem>>)
      tpu.yield
    }) : () -> ()
    %dma_start3A = arith.constant 0 : i32
    %dma_start3A_3 = arith.constant 0 : i32
    %dma_start3A_4 = tpu.memref_slice %arg2[%dma_start3A, %dma_start3A_3] : memref<512x256xf32, #tpu.memory_space<hbm>> -> memref<512x256xf32, #tpu.memory_space<hbm>>
    tpu.enqueue_indirect_dma source(%dma_start3A_4 : memref<512x256xf32, #tpu.memory_space<hbm>>) target(%arg12 : memref<256x256xf32, #tpu.memory_space<vmem>>) offsets(%arg11 : memref<256xi32, #tpu.memory_space<vmem>>) semaphore(%arg13 : memref<!tpu.dma_semaphore, #tpu.memory_space<semaphore_mem>>)
    %dma_wait3A = arith.constant 0 : i32
    %dma_wait3A_5 = arith.constant 0 : i32
    %dma_wait3A_6 = tpu.memref_slice %arg2[%dma_wait3A, %dma_wait3A_5] : memref<512x256xf32, #tpu.memory_space<hbm>> -> memref<512x256xf32, #tpu.memory_space<hbm>>
    tpu.wait_indirect_dma semaphore(%arg13 : memref<!tpu.dma_semaphore, #tpu.memory_space<semaphore_mem>>) src(%dma_wait3A_6 : memref<512x256xf32, #tpu.memory_space<hbm>>) dst(%arg12 : memref<256x256xf32, #tpu.memory_space<vmem>>)
    "tpu.region"() ({
      %run_scoped3A = tpu.sem_alloc : memref<!tpu.dma_semaphore, #tpu.memory_space<semaphore_mem>>
      %dma_start3A_25 = arith.constant 0 : i32
      %dma_start3A_26 = tpu.memref_slice %arg7[%mul3A_2, %dma_start3A_25] : memref<8192x256xf32, #tpu.memory_space<hbm>> -> memref<256x256xf32, #tpu.memory_space<hbm>>
      %dma_start3A_27 = arith.constant 0 : i32
      %dma_start3A_28 = tpu.memref_slice %arg7[%mul3A_2, %dma_start3A_27] : memref<8192x256xf32, #tpu.memory_space<hbm>> -> memref<256x256xf32, #tpu.memory_space<hbm>>
      tpu.enqueue_dma source(%arg12 : memref<256x256xf32, #tpu.memory_space<vmem>>) target(%dma_start3A_28 : memref<256x256xf32, #tpu.memory_space<hbm>>) target_semaphore(%run_scoped3A : memref<!tpu.dma_semaphore, #tpu.memory_space<semaphore_mem>>)
      %dma_wait3A_29 = arith.constant 0 : i32
      %dma_wait3A_30 = tpu.memref_slice %arg7[%mul3A_2, %dma_wait3A_29] : memref<8192x256xf32, #tpu.memory_space<hbm>> -> memref<256x256xf32, #tpu.memory_space<hbm>>
      %dma_wait3A_31 = arith.constant 0 : i32
      %dma_wait3A_32 = tpu.memref_slice %arg7[%mul3A_2, %dma_wait3A_31] : memref<8192x256xf32, #tpu.memory_space<hbm>> -> memref<256x256xf32, #tpu.memory_space<hbm>>
      tpu.wait_dma2 semaphore(%run_scoped3A : memref<!tpu.dma_semaphore, #tpu.memory_space<semaphore_mem>>) src(%arg12 : memref<256x256xf32, #tpu.memory_space<vmem>>) dst(%dma_wait3A_32 : memref<256x256xf32, #tpu.memory_space<hbm>>)
      tpu.yield
    }) : () -> ()
    %dma_start3A_7 = arith.constant 0 : i32
    %dma_start3A_8 = arith.constant 0 : i32
    %dma_start3A_9 = tpu.memref_slice %arg3[%dma_start3A_7, %dma_start3A_8] : memref<512x256xf32, #tpu.memory_space<hbm>> -> memref<512x256xf32, #tpu.memory_space<hbm>>
    tpu.enqueue_indirect_dma source(%dma_start3A_9 : memref<512x256xf32, #tpu.memory_space<hbm>>) target(%arg12 : memref<256x256xf32, #tpu.memory_space<vmem>>) offsets(%arg11 : memref<256xi32, #tpu.memory_space<vmem>>) semaphore(%arg13 : memref<!tpu.dma_semaphore, #tpu.memory_space<semaphore_mem>>)
    %dma_wait3A_10 = arith.constant 0 : i32
    %dma_wait3A_11 = arith.constant 0 : i32
    %dma_wait3A_12 = tpu.memref_slice %arg3[%dma_wait3A_10, %dma_wait3A_11] : memref<512x256xf32, #tpu.memory_space<hbm>> -> memref<512x256xf32, #tpu.memory_space<hbm>>
    tpu.wait_indirect_dma semaphore(%arg13 : memref<!tpu.dma_semaphore, #tpu.memory_space<semaphore_mem>>) src(%dma_wait3A_12 : memref<512x256xf32, #tpu.memory_space<hbm>>) dst(%arg12 : memref<256x256xf32, #tpu.memory_space<vmem>>)
    "tpu.region"() ({
      %run_scoped3A = tpu.sem_alloc : memref<!tpu.dma_semaphore, #tpu.memory_space<semaphore_mem>>
      %dma_start3A_25 = arith.constant 0 : i32
      %dma_start3A_26 = tpu.memref_slice %arg8[%mul3A_2, %dma_start3A_25] : memref<8192x256xf32, #tpu.memory_space<hbm>> -> memref<256x256xf32, #tpu.memory_space<hbm>>
      %dma_start3A_27 = arith.constant 0 : i32
      %dma_start3A_28 = tpu.memref_slice %arg8[%mul3A_2, %dma_start3A_27] : memref<8192x256xf32, #tpu.memory_space<hbm>> -> memref<256x256xf32, #tpu.memory_space<hbm>>
      tpu.enqueue_dma source(%arg12 : memref<256x256xf32, #tpu.memory_space<vmem>>) target(%dma_start3A_28 : memref<256x256xf32, #tpu.memory_space<hbm>>) target_semaphore(%run_scoped3A : memref<!tpu.dma_semaphore, #tpu.memory_space<semaphore_mem>>)
      %dma_wait3A_29 = arith.constant 0 : i32
      %dma_wait3A_30 = tpu.memref_slice %arg8[%mul3A_2, %dma_wait3A_29] : memref<8192x256xf32, #tpu.memory_space<hbm>> -> memref<256x256xf32, #tpu.memory_space<hbm>>
      %dma_wait3A_31 = arith.constant 0 : i32
      %dma_wait3A_32 = tpu.memref_slice %arg8[%mul3A_2, %dma_wait3A_31] : memref<8192x256xf32, #tpu.memory_space<hbm>> -> memref<256x256xf32, #tpu.memory_space<hbm>>
      tpu.wait_dma2 semaphore(%run_scoped3A : memref<!tpu.dma_semaphore, #tpu.memory_space<semaphore_mem>>) src(%arg12 : memref<256x256xf32, #tpu.memory_space<vmem>>) dst(%dma_wait3A_32 : memref<256x256xf32, #tpu.memory_space<hbm>>)
      tpu.yield
    }) : () -> ()
    %dma_start3A_13 = arith.constant 0 : i32
    %dma_start3A_14 = arith.constant 0 : i32
    %dma_start3A_15 = tpu.memref_slice %arg4[%dma_start3A_13, %dma_start3A_14] : memref<512x256xf32, #tpu.memory_space<hbm>> -> memref<512x256xf32, #tpu.memory_space<hbm>>
    tpu.enqueue_indirect_dma source(%dma_start3A_15 : memref<512x256xf32, #tpu.memory_space<hbm>>) target(%arg12 : memref<256x256xf32, #tpu.memory_space<vmem>>) offsets(%arg11 : memref<256xi32, #tpu.memory_space<vmem>>) semaphore(%arg13 : memref<!tpu.dma_semaphore, #tpu.memory_space<semaphore_mem>>)
    %dma_wait3A_16 = arith.constant 0 : i32
    %dma_wait3A_17 = arith.constant 0 : i32
    %dma_wait3A_18 = tpu.memref_slice %arg4[%dma_wait3A_16, %dma_wait3A_17] : memref<512x256xf32, #tpu.memory_space<hbm>> -> memref<512x256xf32, #tpu.memory_space<hbm>>
    tpu.wait_indirect_dma semaphore(%arg13 : memref<!tpu.dma_semaphore, #tpu.memory_space<semaphore_mem>>) src(%dma_wait3A_18 : memref<512x256xf32, #tpu.memory_space<hbm>>) dst(%arg12 : memref<256x256xf32, #tpu.memory_space<vmem>>)
    "tpu.region"() ({
      %run_scoped3A = tpu.sem_alloc : memref<!tpu.dma_semaphore, #tpu.memory_space<semaphore_mem>>
      %dma_start3A_25 = arith.constant 0 : i32
      %dma_start3A_26 = tpu.memref_slice %arg9[%mul3A_2, %dma_start3A_25] : memref<8192x256xf32, #tpu.memory_space<hbm>> -> memref<256x256xf32, #tpu.memory_space<hbm>>
      %dma_start3A_27 = arith.constant 0 : i32
      %dma_start3A_28 = tpu.memref_slice %arg9[%mul3A_2, %dma_start3A_27] : memref<8192x256xf32, #tpu.memory_space<hbm>> -> memref<256x256xf32, #tpu.memory_space<hbm>>
      tpu.enqueue_dma source(%arg12 : memref<256x256xf32, #tpu.memory_space<vmem>>) target(%dma_start3A_28 : memref<256x256xf32, #tpu.memory_space<hbm>>) target_semaphore(%run_scoped3A : memref<!tpu.dma_semaphore, #tpu.memory_space<semaphore_mem>>)
      %dma_wait3A_29 = arith.constant 0 : i32
      %dma_wait3A_30 = tpu.memref_slice %arg9[%mul3A_2, %dma_wait3A_29] : memref<8192x256xf32, #tpu.memory_space<hbm>> -> memref<256x256xf32, #tpu.memory_space<hbm>>
      %dma_wait3A_31 = arith.constant 0 : i32
      %dma_wait3A_32 = tpu.memref_slice %arg9[%mul3A_2, %dma_wait3A_31] : memref<8192x256xf32, #tpu.memory_space<hbm>> -> memref<256x256xf32, #tpu.memory_space<hbm>>
      tpu.wait_dma2 semaphore(%run_scoped3A : memref<!tpu.dma_semaphore, #tpu.memory_space<semaphore_mem>>) src(%arg12 : memref<256x256xf32, #tpu.memory_space<vmem>>) dst(%dma_wait3A_32 : memref<256x256xf32, #tpu.memory_space<hbm>>)
      tpu.yield
    }) : () -> ()
    %dma_start3A_19 = arith.constant 0 : i32
    %dma_start3A_20 = arith.constant 0 : i32
    %dma_start3A_21 = tpu.memref_slice %arg5[%dma_start3A_19, %dma_start3A_20] : memref<512x256xf32, #tpu.memory_space<hbm>> -> memref<512x256xf32, #tpu.memory_space<hbm>>
    tpu.enqueue_indirect_dma source(%dma_start3A_21 : memref<512x256xf32, #tpu.memory_space<hbm>>) target(%arg12 : memref<256x256xf32, #tpu.memory_space<vmem>>) offsets(%arg11 : memref<256xi32, #tpu.memory_space<vmem>>) semaphore(%arg13 : memref<!tpu.dma_semaphore, #tpu.memory_space<semaphore_mem>>)
    %dma_wait3A_22 = arith.constant 0 : i32
    %dma_wait3A_23 = arith.constant 0 : i32
    %dma_wait3A_24 = tpu.memref_slice %arg5[%dma_wait3A_22, %dma_wait3A_23] : memref<512x256xf32, #tpu.memory_space<hbm>> -> memref<512x256xf32, #tpu.memory_space<hbm>>
    tpu.wait_indirect_dma semaphore(%arg13 : memref<!tpu.dma_semaphore, #tpu.memory_space<semaphore_mem>>) src(%dma_wait3A_24 : memref<512x256xf32, #tpu.memory_space<hbm>>) dst(%arg12 : memref<256x256xf32, #tpu.memory_space<vmem>>)
    "tpu.region"() ({
      %run_scoped3A = tpu.sem_alloc : memref<!tpu.dma_semaphore, #tpu.memory_space<semaphore_mem>>
      %dma_start3A_25 = arith.constant 0 : i32
      %dma_start3A_26 = tpu.memref_slice %arg10[%mul3A_2, %dma_start3A_25] : memref<8192x256xf32, #tpu.memory_space<hbm>> -> memref<256x256xf32, #tpu.memory_space<hbm>>
      %dma_start3A_27 = arith.constant 0 : i32
      %dma_start3A_28 = tpu.memref_slice %arg10[%mul3A_2, %dma_start3A_27] : memref<8192x256xf32, #tpu.memory_space<hbm>> -> memref<256x256xf32, #tpu.memory_space<hbm>>
      tpu.enqueue_dma source(%arg12 : memref<256x256xf32, #tpu.memory_space<vmem>>) target(%dma_start3A_28 : memref<256x256xf32, #tpu.memory_space<hbm>>) target_semaphore(%run_scoped3A : memref<!tpu.dma_semaphore, #tpu.memory_space<semaphore_mem>>)
      %dma_wait3A_29 = arith.constant 0 : i32
      %dma_wait3A_30 = tpu.memref_slice %arg10[%mul3A_2, %dma_wait3A_29] : memref<8192x256xf32, #tpu.memory_space<hbm>> -> memref<256x256xf32, #tpu.memory_space<hbm>>
      %dma_wait3A_31 = arith.constant 0 : i32
      %dma_wait3A_32 = tpu.memref_slice %arg10[%mul3A_2, %dma_wait3A_31] : memref<8192x256xf32, #tpu.memory_space<hbm>> -> memref<256x256xf32, #tpu.memory_space<hbm>>
      tpu.wait_dma2 semaphore(%run_scoped3A : memref<!tpu.dma_semaphore, #tpu.memory_space<semaphore_mem>>) src(%arg12 : memref<256x256xf32, #tpu.memory_space<vmem>>) dst(%dma_wait3A_32 : memref<256x256xf32, #tpu.memory_space<hbm>>)
      tpu.yield
    }) : () -> ()
    return
  }
}

module attributes {stable_mosaic.version = 14 : i64} {
  func.func @_main_body(%arg0: i32, %arg1: memref<1x256x384xf32, #tpu.memory_space<vmem>>, %arg2: memref<9x384x256xf32, #tpu.memory_space<vmem>>, %arg3: memref<9x256x256xf32, #tpu.memory_space<vmem>>, %arg4: memref<1x384xf32, #tpu.memory_space<vmem>>, %arg5: memref<1x384xf32, #tpu.memory_space<vmem>>, %arg6: memref<1x256xf32, #tpu.memory_space<vmem>>, %arg7: memref<1x256xf32, #tpu.memory_space<vmem>>, %arg8: memref<1x256xf32, #tpu.memory_space<vmem>>, %arg9: memref<1x256xf32, #tpu.memory_space<vmem>>, %arg10: memref<256x512xf32, #tpu.memory_space<vmem>>, %arg11: memref<1x512xf32, #tpu.memory_space<vmem>>, %arg12: memref<8x512xf32, #tpu.memory_space<vmem>>, %arg13: memref<1x8x256xi32, #tpu.memory_space<vmem>>, %arg14: memref<1x1xf32, #tpu.memory_space<smem>>, %arg15: memref<304x384xf32, #tpu.memory_space<vmem>>, %arg16: memref<304x256xf32, #tpu.memory_space<vmem>>) attributes {dimension_semantics = [#tpu.dimension_semantics<arbitrary>], iteration_bounds = array<i64: 32>, scalar_prefetch = 0 : i64, scratch_operands = 2 : i64, tpu.core_type = #tpu.core_type<tc>, window_params = [{transform_indices = @transform_0, window_bounds = array<i64: 1, 256, 384>}, {pipeline_mode = #tpu.pipeline_mode<synchronous>, transform_indices = @transform_1, window_bounds = array<i64: 9, 384, 256>}, {pipeline_mode = #tpu.pipeline_mode<synchronous>, transform_indices = @transform_2, window_bounds = array<i64: 9, 256, 256>}, {pipeline_mode = #tpu.pipeline_mode<synchronous>, transform_indices = @transform_3, window_bounds = array<i64: 1, 384>}, {pipeline_mode = #tpu.pipeline_mode<synchronous>, transform_indices = @transform_4, window_bounds = array<i64: 1, 384>}, {pipeline_mode = #tpu.pipeline_mode<synchronous>, transform_indices = @transform_5, window_bounds = array<i64: 1, 256>}, {pipeline_mode = #tpu.pipeline_mode<synchronous>, transform_indices = @transform_6, window_bounds = array<i64: 1, 256>}, {pipeline_mode = #tpu.pipeline_mode<synchronous>, transform_indices = @transform_7, window_bounds = array<i64: 1, 256>}, {pipeline_mode = #tpu.pipeline_mode<synchronous>, transform_indices = @transform_8, window_bounds = array<i64: 1, 256>}, {pipeline_mode = #tpu.pipeline_mode<synchronous>, transform_indices = @transform_9, window_bounds = array<i64: 256, 512>}, {pipeline_mode = #tpu.pipeline_mode<synchronous>, transform_indices = @transform_10, window_bounds = array<i64: 1, 512>}, {pipeline_mode = #tpu.pipeline_mode<synchronous>, transform_indices = @transform_11, window_bounds = array<i64: 8, 512>}, {transform_indices = @transform_12, window_bounds = array<i64: 1, 8, 256>}, {transform_indices = @transform_13, window_bounds = array<i64: 1, 1>}]} {
    %get3A = arith.constant 0 : index
    %get3A_0 = arith.constant 0 : index
    %get3A_1 = arith.constant 0 : index
    %get3A_2 = vector.load %arg1[%get3A, %get3A_0, %get3A_1] : memref<1x256x384xf32, #tpu.memory_space<vmem>>, vector<1x256x384xf32>
    %get3A_3 = vector.shape_cast %get3A_2 : vector<1x256x384xf32> to vector<256x384xf32>
    %get3A_4 = arith.constant 0 : index
    %get3A_5 = arith.constant 0 : index
    %get3A_6 = vector.load %arg4[%get3A_4, %get3A_5] : memref<1x384xf32, #tpu.memory_space<vmem>>, vector<1x384xf32>
    %get3A_7 = arith.constant 0 : index
    %get3A_8 = arith.constant 0 : index
    %get3A_9 = vector.load %arg5[%get3A_7, %get3A_8] : memref<1x384xf32, #tpu.memory_space<vmem>>, vector<1x384xf32>
    %iota3A = tpu.iota {dimensions = array<i32: 0>} : vector<384x32xi32>
    %iota3A_10 = tpu.iota {dimensions = array<i32: 1>} : vector<384x32xi32>
    %jit3A = arith.constant 12 : i32
    %div3A = vector.broadcast %jit3A : i32 to vector<384x32xi32>
    %div3A_11 = arith.divsi %iota3A, %div3A : vector<384x32xi32>
    %sign3A = arith.constant 0 : i32
    %sign3A_12 = vector.broadcast %sign3A : i32 to vector<384x32xi32>
    %sign3A_13 = arith.cmpi sgt, %iota3A, %sign3A_12 : vector<384x32xi32>
    %sign3A_14 = arith.extui %sign3A_13 : vector<384x32xi1> to vector<384x32xi32>
    %sign3A_15 = arith.constant 0 : i32
    %sign3A_16 = vector.broadcast %sign3A_15 : i32 to vector<384x32xi32>
    %sign3A_17 = arith.cmpi slt, %iota3A, %sign3A_16 : vector<384x32xi32>
    %sign3A_18 = arith.extui %sign3A_17 : vector<384x32xi1> to vector<384x32xi32>
    %sign3A_19 = arith.subi %sign3A_14, %sign3A_18 : vector<384x32xi32>
    %sign3A_20 = arith.constant 0 : i32
    %sign3A_21 = arith.cmpi sgt, %jit3A, %sign3A_20 : i32
    %sign3A_22 = arith.extui %sign3A_21 : i1 to i32
    %sign3A_23 = arith.constant 0 : i32
    %sign3A_24 = arith.cmpi slt, %jit3A, %sign3A_23 : i32
    %sign3A_25 = arith.extui %sign3A_24 : i1 to i32
    %sign3A_26 = arith.subi %sign3A_22, %sign3A_25 : i32
    %ne3A = vector.broadcast %sign3A_26 : i32 to vector<384x32xi32>
    %ne3A_27 = arith.cmpi ne, %sign3A_19, %ne3A : vector<384x32xi32>
    %rem3A = vector.broadcast %jit3A : i32 to vector<384x32xi32>
    %rem3A_28 = arith.remsi %iota3A, %rem3A : vector<384x32xi32>
    %ne3A_29 = arith.constant 0 : i32
    %ne3A_30 = vector.broadcast %ne3A_29 : i32 to vector<384x32xi32>
    %ne3A_31 = arith.cmpi ne, %rem3A_28, %ne3A_30 : vector<384x32xi32>
    %and3A = arith.andi %ne3A_27, %ne3A_31 : vector<384x32xi1>
    %sub3A = arith.constant 1 : i32
    %sub3A_32 = vector.broadcast %sub3A : i32 to vector<384x32xi32>
    %sub3A_33 = arith.subi %div3A_11, %sub3A_32 : vector<384x32xi32>
    %select_n3A = arith.select %and3A, %sub3A_33, %div3A_11 : vector<384x32xi1>, vector<384x32xi32>
    %eq3A = arith.cmpi eq, %select_n3A, %iota3A_10 : vector<384x32xi32>
    %convert_element_type3A = arith.extui %eq3A : vector<384x32xi1> to vector<384x32xi32>
    %convert_element_type3A_34 = arith.sitofp %convert_element_type3A : vector<384x32xi32> to vector<384x32xf32>
    %reduce_sum3A = arith.constant dense<0.000000e+00> : vector<384xf32>
    %reduce_sum3A_35 = vector.multi_reduction <add>, %get3A_3, %reduce_sum3A [0] : vector<256x384xf32> to vector<384xf32>
    %broadcast_in_dim3A = vector.shape_cast %reduce_sum3A_35 : vector<384xf32> to vector<1x384xf32>
    %mul3A = arith.mulf %get3A_3, %get3A_3 : vector<256x384xf32>
    %reduce_sum3A_36 = arith.constant dense<0.000000e+00> : vector<384xf32>
    %reduce_sum3A_37 = vector.multi_reduction <add>, %mul3A, %reduce_sum3A_36 [0] : vector<256x384xf32> to vector<384xf32>
    %broadcast_in_dim3A_38 = vector.shape_cast %reduce_sum3A_37 : vector<384xf32> to vector<1x384xf32>
    %dot_general3A = arith.constant dense<0.000000e+00> : vector<1x32xf32>
    %dot_general3A_39 = tpu.matmul %broadcast_in_dim3A, %convert_element_type3A_34, %dot_general3A {dimension_numbers = #tpu.dot_dimension_numbers<[1], [0], [0], [1], [0, 0, 1, 1], [], []>, precision = #tpu.contract_precision<fp32>, transpose_lhs_hint = false} : vector<1x384xf32>, vector<384x32xf32>, vector<1x32xf32> -> vector<1x32xf32>
    %div3A_40 = arith.constant 3.072000e+03 : f32
    %div3A_41 = vector.broadcast %div3A_40 : f32 to vector<1x32xf32>
    %div3A_42 = arith.divf %dot_general3A_39, %div3A_41 : vector<1x32xf32>
    %dot_general3A_43 = arith.constant dense<0.000000e+00> : vector<1x32xf32>
    %dot_general3A_44 = tpu.matmul %broadcast_in_dim3A_38, %convert_element_type3A_34, %dot_general3A_43 {dimension_numbers = #tpu.dot_dimension_numbers<[1], [0], [0], [1], [0, 0, 1, 1], [], []>, precision = #tpu.contract_precision<fp32>, transpose_lhs_hint = false} : vector<1x384xf32>, vector<384x32xf32>, vector<1x32xf32> -> vector<1x32xf32>
    %div3A_45 = arith.constant 3.072000e+03 : f32
    %div3A_46 = vector.broadcast %div3A_45 : f32 to vector<1x32xf32>
    %div3A_47 = arith.divf %dot_general3A_44, %div3A_46 : vector<1x32xf32>
    %mul3A_48 = arith.mulf %div3A_42, %div3A_42 : vector<1x32xf32>
    %sub3A_49 = arith.subf %div3A_47, %mul3A_48 : vector<1x32xf32>
    %add3A = arith.constant 9.99999997E-7 : f32
    %add3A_50 = vector.broadcast %add3A : f32 to vector<1x32xf32>
    %add3A_51 = arith.addf %sub3A_49, %add3A_50 : vector<1x32xf32>
    %rsqrt3A = math.rsqrt %add3A_51 : vector<1x32xf32>
    %dot_general3A_52 = arith.constant dense<0.000000e+00> : vector<1x384xf32>
    %dot_general3A_53 = tpu.matmul %div3A_42, %convert_element_type3A_34, %dot_general3A_52 {dimension_numbers = #tpu.dot_dimension_numbers<[1], [1], [0], [0], [0, 0, 1, 0], [], []>, precision = #tpu.contract_precision<fp32>, transpose_lhs_hint = false} : vector<1x32xf32>, vector<384x32xf32>, vector<1x384xf32> -> vector<1x384xf32>
    %dot_general3A_54 = arith.constant dense<0.000000e+00> : vector<1x384xf32>
    %dot_general3A_55 = tpu.matmul %rsqrt3A, %convert_element_type3A_34, %dot_general3A_54 {dimension_numbers = #tpu.dot_dimension_numbers<[1], [1], [0], [0], [0, 0, 1, 0], [], []>, precision = #tpu.contract_precision<fp32>, transpose_lhs_hint = false} : vector<1x32xf32>, vector<384x32xf32>, vector<1x384xf32> -> vector<1x384xf32>
    %mul3A_56 = arith.mulf %get3A_6, %dot_general3A_55 : vector<1x384xf32>
    %mul3A_57 = arith.mulf %dot_general3A_53, %mul3A_56 : vector<1x384xf32>
    %sub3A_58 = arith.subf %get3A_9, %mul3A_57 : vector<1x384xf32>
    %mul3A_59 = vector.broadcast %mul3A_56 : vector<1x384xf32> to vector<256x384xf32>
    %mul3A_60 = arith.mulf %get3A_3, %mul3A_59 : vector<256x384xf32>
    %add3A_61 = vector.broadcast %sub3A_58 : vector<1x384xf32> to vector<256x384xf32>
    %add3A_62 = arith.addf %mul3A_60, %add3A_61 : vector<256x384xf32>
    %neg3A = arith.constant 0.000000e+00 : f32
    %neg3A_63 = vector.broadcast %neg3A : f32 to vector<256x384xf32>
    %neg3A_64 = arith.subf %neg3A_63, %add3A_62 : vector<256x384xf32>
    %exp3A = math.exp %neg3A_64 : vector<256x384xf32>
    %add3A_65 = arith.constant 1.000000e+00 : f32
    %add3A_66 = vector.broadcast %add3A_65 : f32 to vector<256x384xf32>
    %add3A_67 = arith.addf %add3A_66, %exp3A : vector<256x384xf32>
    %div3A_68 = arith.divf %add3A_62, %add3A_67 : vector<256x384xf32>
    %broadcast_in_dim3A_69 = arith.constant 0.000000e+00 : f32
    %broadcast_in_dim3A_70 = vector.broadcast %broadcast_in_dim3A_69 : f32 to vector<24x384xf32>
    %swap3A = arith.constant 0 : index
    %swap3A_71 = arith.constant 0 : index
    %swap3A_72 = vector.load %arg15[%swap3A, %swap3A_71] : memref<304x384xf32, #tpu.memory_space<vmem>>, vector<24x384xf32>
    tpu.vector_store %arg15[%swap3A, %swap3A_71], %broadcast_in_dim3A_70 {strides = array<i32>} : memref<304x384xf32, #tpu.memory_space<vmem>>, vector<24x384xf32>,
    %broadcast_in_dim3A_73 = arith.constant 0.000000e+00 : f32
    %broadcast_in_dim3A_74 = vector.broadcast %broadcast_in_dim3A_73 : f32 to vector<24x384xf32>
    %swap3A_75 = arith.constant 280 : index
    %swap3A_76 = arith.constant 0 : index
    %swap3A_77 = vector.load %arg15[%swap3A_75, %swap3A_76] : memref<304x384xf32, #tpu.memory_space<vmem>>, vector<24x384xf32>
    tpu.vector_store %arg15[%swap3A_75, %swap3A_76], %broadcast_in_dim3A_74 {strides = array<i32>} : memref<304x384xf32, #tpu.memory_space<vmem>>, vector<24x384xf32>,
    %swap3A_78 = arith.constant 24 : index
    %swap3A_79 = arith.constant 0 : index
    %swap3A_80 = vector.load %arg15[%swap3A_78, %swap3A_79] : memref<304x384xf32, #tpu.memory_space<vmem>>, vector<256x384xf32>
    tpu.vector_store %arg15[%swap3A_78, %swap3A_79], %div3A_68 {strides = array<i32>} : memref<304x384xf32, #tpu.memory_space<vmem>>, vector<256x384xf32>,
    %get3A_81 = arith.constant 0 : index
    %get3A_82 = arith.constant 0 : index
    %get3A_83 = vector.load %arg8[%get3A_81, %get3A_82] : memref<1x256xf32, #tpu.memory_space<vmem>>, vector<1x256xf32>
    %get3A_84 = arith.constant 8 : index
    %get3A_85 = arith.constant 0 : index
    %get3A_86 = vector.load %arg15[%get3A_84, %get3A_85] : memref<304x384xf32, #tpu.memory_space<vmem>>, vector<256x384xf32>
    %get3A_87 = arith.constant 0 : index
    %get3A_88 = arith.constant 0 : index
    %get3A_89 = arith.constant 0 : index
    %get3A_90 = vector.load %arg2[%get3A_87, %get3A_88, %get3A_89] : memref<9x384x256xf32, #tpu.memory_space<vmem>>, vector<1x384x256xf32>
    %get3A_91 = vector.shape_cast %get3A_90 : vector<1x384x256xf32> to vector<384x256xf32>
    %convert_element_type3A_92 = arith.truncf %get3A_86 : vector<256x384xf32> to vector<256x384xbf16>
    %convert_element_type3A_93 = arith.truncf %get3A_91 : vector<384x256xf32> to vector<384x256xbf16>
    %dot_general3A_94 = arith.constant dense<0.000000e+00> : vector<256x256xf32>
    %dot_general3A_95 = tpu.matmul %convert_element_type3A_92, %convert_element_type3A_93, %dot_general3A_94 {dimension_numbers = #tpu.dot_dimension_numbers<[1], [0], [0], [1], [0, 0, 1, 1], [], []>, transpose_lhs_hint = false} : vector<256x384xbf16>, vector<384x256xbf16>, vector<256x256xf32> -> vector<256x256xf32>
    %get3A_96 = arith.constant 24 : index
    %get3A_97 = arith.constant 0 : index
    %get3A_98 = vector.load %arg15[%get3A_96, %get3A_97] : memref<304x384xf32, #tpu.memory_space<vmem>>, vector<256x384xf32>
    %get3A_99 = arith.constant 3 : index
    %get3A_100 = arith.constant 0 : index
    %get3A_101 = arith.constant 0 : index
    %get3A_102 = vector.load %arg2[%get3A_99, %get3A_100, %get3A_101] : memref<9x384x256xf32, #tpu.memory_space<vmem>>, vector<1x384x256xf32>
    %get3A_103 = vector.shape_cast %get3A_102 : vector<1x384x256xf32> to vector<384x256xf32>
    %convert_element_type3A_104 = arith.truncf %get3A_98 : vector<256x384xf32> to vector<256x384xbf16>
    %convert_element_type3A_105 = arith.truncf %get3A_103 : vector<384x256xf32> to vector<384x256xbf16>
    %dot_general3A_106 = arith.constant dense<0.000000e+00> : vector<256x256xf32>
    %dot_general3A_107 = tpu.matmul %convert_element_type3A_104, %convert_element_type3A_105, %dot_general3A_106 {dimension_numbers = #tpu.dot_dimension_numbers<[1], [0], [0], [1], [0, 0, 1, 1], [], []>, transpose_lhs_hint = false} : vector<256x384xbf16>, vector<384x256xbf16>, vector<256x256xf32> -> vector<256x256xf32>
    %add3A_108 = arith.addf %dot_general3A_95, %dot_general3A_107 : vector<256x256xf32>
    %get3A_109 = arith.constant 40 : index
    %get3A_110 = arith.constant 0 : index
    %get3A_111 = vector.load %arg15[%get3A_109, %get3A_110] : memref<304x384xf32, #tpu.memory_space<vmem>>, vector<256x384xf32>
    %get3A_112 = arith.constant 6 : index
    %get3A_113 = arith.constant 0 : index
    %get3A_114 = arith.constant 0 : index
    %get3A_115 = vector.load %arg2[%get3A_112, %get3A_113, %get3A_114] : memref<9x384x256xf32, #tpu.memory_space<vmem>>, vector<1x384x256xf32>
    %get3A_116 = vector.shape_cast %get3A_115 : vector<1x384x256xf32> to vector<384x256xf32>
    %convert_element_type3A_117 = arith.truncf %get3A_111 : vector<256x384xf32> to vector<256x384xbf16>
    %convert_element_type3A_118 = arith.truncf %get3A_116 : vector<384x256xf32> to vector<384x256xbf16>
    %dot_general3A_119 = arith.constant dense<0.000000e+00> : vector<256x256xf32>
    %dot_general3A_120 = tpu.matmul %convert_element_type3A_117, %convert_element_type3A_118, %dot_general3A_119 {dimension_numbers = #tpu.dot_dimension_numbers<[1], [0], [0], [1], [0, 0, 1, 1], [], []>, transpose_lhs_hint = false} : vector<256x384xbf16>, vector<384x256xbf16>, vector<256x256xf32> -> vector<256x256xf32>
    %add3A_121 = arith.addf %add3A_108, %dot_general3A_120 : vector<256x256xf32>
    %get3A_122 = arith.constant 8 : index
    %get3A_123 = arith.constant 0 : index
    %get3A_124 = vector.load %arg15[%get3A_122, %get3A_123] : memref<304x384xf32, #tpu.memory_space<vmem>>, vector<256x384xf32>
    %get3A_125 = arith.constant 1 : index
    %get3A_126 = arith.constant 0 : index
    %get3A_127 = arith.constant 0 : index
    %get3A_128 = vector.load %arg2[%get3A_125, %get3A_126, %get3A_127] : memref<9x384x256xf32, #tpu.memory_space<vmem>>, vector<1x384x256xf32>
    %get3A_129 = vector.shape_cast %get3A_128 : vector<1x384x256xf32> to vector<384x256xf32>
    %convert_element_type3A_130 = arith.truncf %get3A_124 : vector<256x384xf32> to vector<256x384xbf16>
    %convert_element_type3A_131 = arith.truncf %get3A_129 : vector<384x256xf32> to vector<384x256xbf16>
    %dot_general3A_132 = arith.constant dense<0.000000e+00> : vector<256x256xf32>
    %dot_general3A_133 = tpu.matmul %convert_element_type3A_130, %convert_element_type3A_131, %dot_general3A_132 {dimension_numbers = #tpu.dot_dimension_numbers<[1], [0], [0], [1], [0, 0, 1, 1], [], []>, transpose_lhs_hint = false} : vector<256x384xbf16>, vector<384x256xbf16>, vector<256x256xf32> -> vector<256x256xf32>
    %get3A_134 = arith.constant 24 : index
    %get3A_135 = arith.constant 0 : index
    %get3A_136 = vector.load %arg15[%get3A_134, %get3A_135] : memref<304x384xf32, #tpu.memory_space<vmem>>, vector<256x384xf32>
    %get3A_137 = arith.constant 4 : index
    %get3A_138 = arith.constant 0 : index
    %get3A_139 = arith.constant 0 : index
    %get3A_140 = vector.load %arg2[%get3A_137, %get3A_138, %get3A_139] : memref<9x384x256xf32, #tpu.memory_space<vmem>>, vector<1x384x256xf32>
    %get3A_141 = vector.shape_cast %get3A_140 : vector<1x384x256xf32> to vector<384x256xf32>
    %convert_element_type3A_142 = arith.truncf %get3A_136 : vector<256x384xf32> to vector<256x384xbf16>
    %convert_element_type3A_143 = arith.truncf %get3A_141 : vector<384x256xf32> to vector<384x256xbf16>
    %dot_general3A_144 = arith.constant dense<0.000000e+00> : vector<256x256xf32>
    %dot_general3A_145 = tpu.matmul %convert_element_type3A_142, %convert_element_type3A_143, %dot_general3A_144 {dimension_numbers = #tpu.dot_dimension_numbers<[1], [0], [0], [1], [0, 0, 1, 1], [], []>, transpose_lhs_hint = false} : vector<256x384xbf16>, vector<384x256xbf16>, vector<256x256xf32> -> vector<256x256xf32>
    %add3A_146 = arith.addf %dot_general3A_133, %dot_general3A_145 : vector<256x256xf32>
    %get3A_147 = arith.constant 40 : index
    %get3A_148 = arith.constant 0 : index
    %get3A_149 = vector.load %arg15[%get3A_147, %get3A_148] : memref<304x384xf32, #tpu.memory_space<vmem>>, vector<256x384xf32>
    %get3A_150 = arith.constant 7 : index
    %get3A_151 = arith.constant 0 : index
    %get3A_152 = arith.constant 0 : index
    %get3A_153 = vector.load %arg2[%get3A_150, %get3A_151, %get3A_152] : memref<9x384x256xf32, #tpu.memory_space<vmem>>, vector<1x384x256xf32>
    %get3A_154 = vector.shape_cast %get3A_153 : vector<1x384x256xf32> to vector<384x256xf32>
    %convert_element_type3A_155 = arith.truncf %get3A_149 : vector<256x384xf32> to vector<256x384xbf16>
    %convert_element_type3A_156 = arith.truncf %get3A_154 : vector<384x256xf32> to vector<384x256xbf16>
    %dot_general3A_157 = arith.constant dense<0.000000e+00> : vector<256x256xf32>
    %dot_general3A_158 = tpu.matmul %convert_element_type3A_155, %convert_element_type3A_156, %dot_general3A_157 {dimension_numbers = #tpu.dot_dimension_numbers<[1], [0], [0], [1], [0, 0, 1, 1], [], []>, transpose_lhs_hint = false} : vector<256x384xbf16>, vector<384x256xbf16>, vector<256x256xf32> -> vector<256x256xf32>
    %add3A_159 = arith.addf %add3A_146, %dot_general3A_158 : vector<256x256xf32>
    %get3A_160 = arith.constant 8 : index
    %get3A_161 = arith.constant 0 : index
    %get3A_162 = vector.load %arg15[%get3A_160, %get3A_161] : memref<304x384xf32, #tpu.memory_space<vmem>>, vector<256x384xf32>
    %get3A_163 = arith.constant 2 : index
    %get3A_164 = arith.constant 0 : index
    %get3A_165 = arith.constant 0 : index
    %get3A_166 = vector.load %arg2[%get3A_163, %get3A_164, %get3A_165] : memref<9x384x256xf32, #tpu.memory_space<vmem>>, vector<1x384x256xf32>
    %get3A_167 = vector.shape_cast %get3A_166 : vector<1x384x256xf32> to vector<384x256xf32>
    %convert_element_type3A_168 = arith.truncf %get3A_162 : vector<256x384xf32> to vector<256x384xbf16>
    %convert_element_type3A_169 = arith.truncf %get3A_167 : vector<384x256xf32> to vector<384x256xbf16>
    %dot_general3A_170 = arith.constant dense<0.000000e+00> : vector<256x256xf32>
    %dot_general3A_171 = tpu.matmul %convert_element_type3A_168, %convert_element_type3A_169, %dot_general3A_170 {dimension_numbers = #tpu.dot_dimension_numbers<[1], [0], [0], [1], [0, 0, 1, 1], [], []>, transpose_lhs_hint = false} : vector<256x384xbf16>, vector<384x256xbf16>, vector<256x256xf32> -> vector<256x256xf32>
    %get3A_172 = arith.constant 24 : index
    %get3A_173 = arith.constant 0 : index
    %get3A_174 = vector.load %arg15[%get3A_172, %get3A_173] : memref<304x384xf32, #tpu.memory_space<vmem>>, vector<256x384xf32>
    %get3A_175 = arith.constant 5 : index
    %get3A_176 = arith.constant 0 : index
    %get3A_177 = arith.constant 0 : index
    %get3A_178 = vector.load %arg2[%get3A_175, %get3A_176, %get3A_177] : memref<9x384x256xf32, #tpu.memory_space<vmem>>, vector<1x384x256xf32>
    %get3A_179 = vector.shape_cast %get3A_178 : vector<1x384x256xf32> to vector<384x256xf32>
    %convert_element_type3A_180 = arith.truncf %get3A_174 : vector<256x384xf32> to vector<256x384xbf16>
    %convert_element_type3A_181 = arith.truncf %get3A_179 : vector<384x256xf32> to vector<384x256xbf16>
    %dot_general3A_182 = arith.constant dense<0.000000e+00> : vector<256x256xf32>
    %dot_general3A_183 = tpu.matmul %convert_element_type3A_180, %convert_element_type3A_181, %dot_general3A_182 {dimension_numbers = #tpu.dot_dimension_numbers<[1], [0], [0], [1], [0, 0, 1, 1], [], []>, transpose_lhs_hint = false} : vector<256x384xbf16>, vector<384x256xbf16>, vector<256x256xf32> -> vector<256x256xf32>
    %add3A_184 = arith.addf %dot_general3A_171, %dot_general3A_183 : vector<256x256xf32>
    %get3A_185 = arith.constant 40 : index
    %get3A_186 = arith.constant 0 : index
    %get3A_187 = vector.load %arg15[%get3A_185, %get3A_186] : memref<304x384xf32, #tpu.memory_space<vmem>>, vector<256x384xf32>
    %get3A_188 = arith.constant 8 : index
    %get3A_189 = arith.constant 0 : index
    %get3A_190 = arith.constant 0 : index
    %get3A_191 = vector.load %arg2[%get3A_188, %get3A_189, %get3A_190] : memref<9x384x256xf32, #tpu.memory_space<vmem>>, vector<1x384x256xf32>
    %get3A_192 = vector.shape_cast %get3A_191 : vector<1x384x256xf32> to vector<384x256xf32>
    %convert_element_type3A_193 = arith.truncf %get3A_187 : vector<256x384xf32> to vector<256x384xbf16>
    %convert_element_type3A_194 = arith.truncf %get3A_192 : vector<384x256xf32> to vector<384x256xbf16>
    %dot_general3A_195 = arith.constant dense<0.000000e+00> : vector<256x256xf32>
    %dot_general3A_196 = tpu.matmul %convert_element_type3A_193, %convert_element_type3A_194, %dot_general3A_195 {dimension_numbers = #tpu.dot_dimension_numbers<[1], [0], [0], [1], [0, 0, 1, 1], [], []>, transpose_lhs_hint = false} : vector<256x384xbf16>, vector<384x256xbf16>, vector<256x256xf32> -> vector<256x256xf32>
    %add3A_197 = arith.addf %add3A_184, %dot_general3A_196 : vector<256x256xf32>
    %iota3A_198 = tpu.iota {dimensions = array<i32: 0>} : vector<256x1xi32>
    %jit3A_199 = arith.constant 16 : i32
    %eq3A_200 = arith.constant 0 : i32
    %eq3A_201 = arith.cmpi eq, %jit3A_199, %eq3A_200 : i32
    %jit3A_202 = arith.constant 1 : i32
    %select_n3A_203 = arith.select %eq3A_201, %jit3A_202, %jit3A_199 : i32
    %rem3A_204 = vector.broadcast %select_n3A_203 : i32 to vector<256x1xi32>
    %rem3A_205 = arith.remsi %iota3A_198, %rem3A_204 : vector<256x1xi32>
    %ne3A_206 = arith.constant 0 : i32
    %ne3A_207 = vector.broadcast %ne3A_206 : i32 to vector<256x1xi32>
    %ne3A_208 = arith.cmpi ne, %rem3A_205, %ne3A_207 : vector<256x1xi32>
    %lt3A = arith.constant 0 : i32
    %lt3A_209 = vector.broadcast %lt3A : i32 to vector<256x1xi32>
    %lt3A_210 = arith.cmpi slt, %rem3A_205, %lt3A_209 : vector<256x1xi32>
    %lt3A_211 = arith.constant 0 : i32
    %lt3A_212 = arith.cmpi slt, %select_n3A_203, %lt3A_211 : i32
    %ne3A_213 = vector.broadcast %lt3A_212 : i1 to vector<256x1xi1>
    %ne3A_214 = vector.broadcast %ne3A_213 : vector<256x1xi1> to vector<256x1xi1>
    %ne3A_215 = arith.xori %lt3A_210, %ne3A_214 : vector<256x1xi1>
    %and3A_216 = arith.andi %ne3A_215, %ne3A_208 : vector<256x1xi1>
    %add3A_217 = vector.broadcast %select_n3A_203 : i32 to vector<256x1xi32>
    %add3A_218 = arith.addi %rem3A_205, %add3A_217 : vector<256x1xi32>
    %select_n3A_219 = arith.select %and3A_216, %add3A_218, %rem3A_205 : vector<256x1xi1>, vector<256x1xi32>
    %ne3A_220 = arith.constant 0 : i32
    %ne3A_221 = vector.broadcast %ne3A_220 : i32 to vector<256x1xi32>
    %ne3A_222 = arith.cmpi ne, %select_n3A_219, %ne3A_221 : vector<256x1xi32>
    %jit3A_223 = arith.constant 1.000000e+00 : f32
    %jit3A_224 = arith.constant 0.000000e+00 : f32
    %broadcast_in_dim3A_225 = vector.broadcast %jit3A_223 : f32 to vector<256x1xf32>
    %broadcast_in_dim3A_226 = vector.broadcast %jit3A_224 : f32 to vector<256x1xf32>
    %select_n3A_227 = arith.select %ne3A_222, %broadcast_in_dim3A_225, %broadcast_in_dim3A_226 : vector<256x1xi1>, vector<256x1xf32>
    %roll3A = arith.constant 1 : i32
    %roll3A_228 = tpu.dynamic_rotate %add3A_121 by %roll3A dim 0 : vector<256x256xf32>, i32 -> vector<256x256xf32>
    %mul3A_229 = vector.broadcast %select_n3A_227 : vector<256x1xf32> to vector<256x256xf32>
    %mul3A_230 = arith.mulf %mul3A_229, %roll3A_228 : vector<256x256xf32>
    %add3A_231 = arith.addf %add3A_159, %mul3A_230 : vector<256x256xf32>
    %ne3A_232 = arith.constant 15 : i32
    %ne3A_233 = vector.broadcast %ne3A_232 : i32 to vector<256x1xi32>
    %ne3A_234 = arith.cmpi ne, %select_n3A_219, %ne3A_233 : vector<256x1xi32>
    %jit3A_235 = arith.constant 1.000000e+00 : f32
    %jit3A_236 = arith.constant 0.000000e+00 : f32
    %broadcast_in_dim3A_237 = vector.broadcast %jit3A_235 : f32 to vector<256x1xf32>
    %broadcast_in_dim3A_238 = vector.broadcast %jit3A_236 : f32 to vector<256x1xf32>
    %select_n3A_239 = arith.select %ne3A_234, %broadcast_in_dim3A_237, %broadcast_in_dim3A_238 : vector<256x1xi1>, vector<256x1xf32>
    %roll3A_240 = arith.constant 255 : i32
    %roll3A_241 = tpu.dynamic_rotate %add3A_197 by %roll3A_240 dim 0 : vector<256x256xf32>, i32 -> vector<256x256xf32>
    %mul3A_242 = vector.broadcast %select_n3A_239 : vector<256x1xf32> to vector<256x256xf32>
    %mul3A_243 = arith.mulf %mul3A_242, %roll3A_241 : vector<256x256xf32>
    %add3A_244 = arith.addf %add3A_231, %mul3A_243 : vector<256x256xf32>
    %add3A_245 = vector.broadcast %get3A_83 : vector<1x256xf32> to vector<256x256xf32>
    %add3A_246 = arith.addf %add3A_244, %add3A_245 : vector<256x256xf32>
    %get3A_247 = arith.constant 0 : index
    %get3A_248 = arith.constant 0 : index
    %get3A_249 = vector.load %arg6[%get3A_247, %get3A_248] : memref<1x256xf32, #tpu.memory_space<vmem>>, vector<1x256xf32>
    %get3A_250 = arith.constant 0 : index
    %get3A_251 = arith.constant 0 : index
    %get3A_252 = vector.load %arg7[%get3A_250, %get3A_251] : memref<1x256xf32, #tpu.memory_space<vmem>>, vector<1x256xf32>
    %iota3A_253 = tpu.iota {dimensions = array<i32: 0>} : vector<256x32xi32>
    %iota3A_254 = tpu.iota {dimensions = array<i32: 1>} : vector<256x32xi32>
    %jit3A_255 = arith.constant 8 : i32
    %div3A_256 = vector.broadcast %jit3A_255 : i32 to vector<256x32xi32>
    %div3A_257 = arith.divsi %iota3A_253, %div3A_256 : vector<256x32xi32>
    %sign3A_258 = arith.constant 0 : i32
    %sign3A_259 = vector.broadcast %sign3A_258 : i32 to vector<256x32xi32>
    %sign3A_260 = arith.cmpi sgt, %iota3A_253, %sign3A_259 : vector<256x32xi32>
    %sign3A_261 = arith.extui %sign3A_260 : vector<256x32xi1> to vector<256x32xi32>
    %sign3A_262 = arith.constant 0 : i32
    %sign3A_263 = vector.broadcast %sign3A_262 : i32 to vector<256x32xi32>
    %sign3A_264 = arith.cmpi slt, %iota3A_253, %sign3A_263 : vector<256x32xi32>
    %sign3A_265 = arith.extui %sign3A_264 : vector<256x32xi1> to vector<256x32xi32>
    %sign3A_266 = arith.subi %sign3A_261, %sign3A_265 : vector<256x32xi32>
    %sign3A_267 = arith.constant 0 : i32
    %sign3A_268 = arith.cmpi sgt, %jit3A_255, %sign3A_267 : i32
    %sign3A_269 = arith.extui %sign3A_268 : i1 to i32
    %sign3A_270 = arith.constant 0 : i32
    %sign3A_271 = arith.cmpi slt, %jit3A_255, %sign3A_270 : i32
    %sign3A_272 = arith.extui %sign3A_271 : i1 to i32
    %sign3A_273 = arith.subi %sign3A_269, %sign3A_272 : i32
    %ne3A_274 = vector.broadcast %sign3A_273 : i32 to vector<256x32xi32>
    %ne3A_275 = arith.cmpi ne, %sign3A_266, %ne3A_274 : vector<256x32xi32>
    %rem3A_276 = vector.broadcast %jit3A_255 : i32 to vector<256x32xi32>
    %rem3A_277 = arith.remsi %iota3A_253, %rem3A_276 : vector<256x32xi32>
    %ne3A_278 = arith.constant 0 : i32
    %ne3A_279 = vector.broadcast %ne3A_278 : i32 to vector<256x32xi32>
    %ne3A_280 = arith.cmpi ne, %rem3A_277, %ne3A_279 : vector<256x32xi32>
    %and3A_281 = arith.andi %ne3A_275, %ne3A_280 : vector<256x32xi1>
    %sub3A_282 = arith.constant 1 : i32
    %sub3A_283 = vector.broadcast %sub3A_282 : i32 to vector<256x32xi32>
    %sub3A_284 = arith.subi %div3A_257, %sub3A_283 : vector<256x32xi32>
    %select_n3A_285 = arith.select %and3A_281, %sub3A_284, %div3A_257 : vector<256x32xi1>, vector<256x32xi32>
    %eq3A_286 = arith.cmpi eq, %select_n3A_285, %iota3A_254 : vector<256x32xi32>
    %convert_element_type3A_287 = arith.extui %eq3A_286 : vector<256x32xi1> to vector<256x32xi32>
    %convert_element_type3A_288 = arith.sitofp %convert_element_type3A_287 : vector<256x32xi32> to vector<256x32xf32>
    %reduce_sum3A_289 = arith.constant dense<0.000000e+00> : vector<256xf32>
    %reduce_sum3A_290 = vector.multi_reduction <add>, %add3A_246, %reduce_sum3A_289 [0] : vector<256x256xf32> to vector<256xf32>
    %broadcast_in_dim3A_291 = vector.shape_cast %reduce_sum3A_290 : vector<256xf32> to vector<1x256xf32>
    %mul3A_292 = arith.mulf %add3A_246, %add3A_246 : vector<256x256xf32>
    %reduce_sum3A_293 = arith.constant dense<0.000000e+00> : vector<256xf32>
    %reduce_sum3A_294 = vector.multi_reduction <add>, %mul3A_292, %reduce_sum3A_293 [0] : vector<256x256xf32> to vector<256xf32>
    %broadcast_in_dim3A_295 = vector.shape_cast %reduce_sum3A_294 : vector<256xf32> to vector<1x256xf32>
    %dot_general3A_296 = arith.constant dense<0.000000e+00> : vector<1x32xf32>
    %dot_general3A_297 = tpu.matmul %broadcast_in_dim3A_291, %convert_element_type3A_288, %dot_general3A_296 {dimension_numbers = #tpu.dot_dimension_numbers<[1], [0], [0], [1], [0, 0, 1, 1], [], []>, precision = #tpu.contract_precision<fp32>, transpose_lhs_hint = false} : vector<1x256xf32>, vector<256x32xf32>, vector<1x32xf32> -> vector<1x32xf32>
    %div3A_298 = arith.constant 2.048000e+03 : f32
    %div3A_299 = vector.broadcast %div3A_298 : f32 to vector<1x32xf32>
    %div3A_300 = arith.divf %dot_general3A_297, %div3A_299 : vector<1x32xf32>
    %dot_general3A_301 = arith.constant dense<0.000000e+00> : vector<1x32xf32>
    %dot_general3A_302 = tpu.matmul %broadcast_in_dim3A_295, %convert_element_type3A_288, %dot_general3A_301 {dimension_numbers = #tpu.dot_dimension_numbers<[1], [0], [0], [1], [0, 0, 1, 1], [], []>, precision = #tpu.contract_precision<fp32>, transpose_lhs_hint = false} : vector<1x256xf32>, vector<256x32xf32>, vector<1x32xf32> -> vector<1x32xf32>
    %div3A_303 = arith.constant 2.048000e+03 : f32
    %div3A_304 = vector.broadcast %div3A_303 : f32 to vector<1x32xf32>
    %div3A_305 = arith.divf %dot_general3A_302, %div3A_304 : vector<1x32xf32>
    %mul3A_306 = arith.mulf %div3A_300, %div3A_300 : vector<1x32xf32>
    %sub3A_307 = arith.subf %div3A_305, %mul3A_306 : vector<1x32xf32>
    %add3A_308 = arith.constant 9.99999997E-7 : f32
    %add3A_309 = vector.broadcast %add3A_308 : f32 to vector<1x32xf32>
    %add3A_310 = arith.addf %sub3A_307, %add3A_309 : vector<1x32xf32>
    %rsqrt3A_311 = math.rsqrt %add3A_310 : vector<1x32xf32>
    %dot_general3A_312 = arith.constant dense<0.000000e+00> : vector<1x256xf32>
    %dot_general3A_313 = tpu.matmul %div3A_300, %convert_element_type3A_288, %dot_general3A_312 {dimension_numbers = #tpu.dot_dimension_numbers<[1], [1], [0], [0], [0, 0, 1, 0], [], []>, precision = #tpu.contract_precision<fp32>, transpose_lhs_hint = false} : vector<1x32xf32>, vector<256x32xf32>, vector<1x256xf32> -> vector<1x256xf32>
    %dot_general3A_314 = arith.constant dense<0.000000e+00> : vector<1x256xf32>
    %dot_general3A_315 = tpu.matmul %rsqrt3A_311, %convert_element_type3A_288, %dot_general3A_314 {dimension_numbers = #tpu.dot_dimension_numbers<[1], [1], [0], [0], [0, 0, 1, 0], [], []>, precision = #tpu.contract_precision<fp32>, transpose_lhs_hint = false} : vector<1x32xf32>, vector<256x32xf32>, vector<1x256xf32> -> vector<1x256xf32>
    %mul3A_316 = arith.mulf %get3A_249, %dot_general3A_315 : vector<1x256xf32>
    %mul3A_317 = arith.mulf %dot_general3A_313, %mul3A_316 : vector<1x256xf32>
    %sub3A_318 = arith.subf %get3A_252, %mul3A_317 : vector<1x256xf32>
    %mul3A_319 = vector.broadcast %mul3A_316 : vector<1x256xf32> to vector<256x256xf32>
    %mul3A_320 = arith.mulf %add3A_246, %mul3A_319 : vector<256x256xf32>
    %add3A_321 = vector.broadcast %sub3A_318 : vector<1x256xf32> to vector<256x256xf32>
    %add3A_322 = arith.addf %mul3A_320, %add3A_321 : vector<256x256xf32>
    %neg3A_323 = arith.constant 0.000000e+00 : f32
    %neg3A_324 = vector.broadcast %neg3A_323 : f32 to vector<256x256xf32>
    %neg3A_325 = arith.subf %neg3A_324, %add3A_322 : vector<256x256xf32>
    %exp3A_326 = math.exp %neg3A_325 : vector<256x256xf32>
    %add3A_327 = arith.constant 1.000000e+00 : f32
    %add3A_328 = vector.broadcast %add3A_327 : f32 to vector<256x256xf32>
    %add3A_329 = arith.addf %add3A_328, %exp3A_326 : vector<256x256xf32>
    %div3A_330 = arith.divf %add3A_322, %add3A_329 : vector<256x256xf32>
    %broadcast_in_dim3A_331 = arith.constant 0.000000e+00 : f32
    %broadcast_in_dim3A_332 = vector.broadcast %broadcast_in_dim3A_331 : f32 to vector<24x256xf32>
    %swap3A_333 = arith.constant 0 : index
    %swap3A_334 = arith.constant 0 : index
    %swap3A_335 = vector.load %arg16[%swap3A_333, %swap3A_334] : memref<304x256xf32, #tpu.memory_space<vmem>>, vector<24x256xf32>
    tpu.vector_store %arg16[%swap3A_333, %swap3A_334], %broadcast_in_dim3A_332 {strides = array<i32>} : memref<304x256xf32, #tpu.memory_space<vmem>>, vector<24x256xf32>,
    %broadcast_in_dim3A_336 = arith.constant 0.000000e+00 : f32
    %broadcast_in_dim3A_337 = vector.broadcast %broadcast_in_dim3A_336 : f32 to vector<24x256xf32>
    %swap3A_338 = arith.constant 280 : index
    %swap3A_339 = arith.constant 0 : index
    %swap3A_340 = vector.load %arg16[%swap3A_338, %swap3A_339] : memref<304x256xf32, #tpu.memory_space<vmem>>, vector<24x256xf32>
    tpu.vector_store %arg16[%swap3A_338, %swap3A_339], %broadcast_in_dim3A_337 {strides = array<i32>} : memref<304x256xf32, #tpu.memory_space<vmem>>, vector<24x256xf32>,
    %swap3A_341 = arith.constant 24 : index
    %swap3A_342 = arith.constant 0 : index
    %swap3A_343 = vector.load %arg16[%swap3A_341, %swap3A_342] : memref<304x256xf32, #tpu.memory_space<vmem>>, vector<256x256xf32>
    tpu.vector_store %arg16[%swap3A_341, %swap3A_342], %div3A_330 {strides = array<i32>} : memref<304x256xf32, #tpu.memory_space<vmem>>, vector<256x256xf32>,
    %get3A_344 = arith.constant 0 : index
    %get3A_345 = arith.constant 0 : index
    %get3A_346 = vector.load %arg9[%get3A_344, %get3A_345] : memref<1x256xf32, #tpu.memory_space<vmem>>, vector<1x256xf32>
    %get3A_347 = arith.constant 8 : index
    %get3A_348 = arith.constant 0 : index
    %get3A_349 = vector.load %arg16[%get3A_347, %get3A_348] : memref<304x256xf32, #tpu.memory_space<vmem>>, vector<256x256xf32>
    %get3A_350 = arith.constant 0 : index
    %get3A_351 = arith.constant 0 : index
    %get3A_352 = arith.constant 0 : index
    %get3A_353 = vector.load %arg3[%get3A_350, %get3A_351, %get3A_352] : memref<9x256x256xf32, #tpu.memory_space<vmem>>, vector<1x256x256xf32>
    %get3A_354 = vector.shape_cast %get3A_353 : vector<1x256x256xf32> to vector<256x256xf32>
    %convert_element_type3A_355 = arith.truncf %get3A_349 : vector<256x256xf32> to vector<256x256xbf16>
    %convert_element_type3A_356 = arith.truncf %get3A_354 : vector<256x256xf32> to vector<256x256xbf16>
    %dot_general3A_357 = arith.constant dense<0.000000e+00> : vector<256x256xf32>
    %dot_general3A_358 = tpu.matmul %convert_element_type3A_355, %convert_element_type3A_356, %dot_general3A_357 {dimension_numbers = #tpu.dot_dimension_numbers<[1], [0], [0], [1], [0, 0, 1, 1], [], []>, transpose_lhs_hint = false} : vector<256x256xbf16>, vector<256x256xbf16>, vector<256x256xf32> -> vector<256x256xf32>
    %get3A_359 = arith.constant 24 : index
    %get3A_360 = arith.constant 0 : index
    %get3A_361 = vector.load %arg16[%get3A_359, %get3A_360] : memref<304x256xf32, #tpu.memory_space<vmem>>, vector<256x256xf32>
    %get3A_362 = arith.constant 3 : index
    %get3A_363 = arith.constant 0 : index
    %get3A_364 = arith.constant 0 : index
    %get3A_365 = vector.load %arg3[%get3A_362, %get3A_363, %get3A_364] : memref<9x256x256xf32, #tpu.memory_space<vmem>>, vector<1x256x256xf32>
    %get3A_366 = vector.shape_cast %get3A_365 : vector<1x256x256xf32> to vector<256x256xf32>
    %convert_element_type3A_367 = arith.truncf %get3A_361 : vector<256x256xf32> to vector<256x256xbf16>
    %convert_element_type3A_368 = arith.truncf %get3A_366 : vector<256x256xf32> to vector<256x256xbf16>
    %dot_general3A_369 = arith.constant dense<0.000000e+00> : vector<256x256xf32>
    %dot_general3A_370 = tpu.matmul %convert_element_type3A_367, %convert_element_type3A_368, %dot_general3A_369 {dimension_numbers = #tpu.dot_dimension_numbers<[1], [0], [0], [1], [0, 0, 1, 1], [], []>, transpose_lhs_hint = false} : vector<256x256xbf16>, vector<256x256xbf16>, vector<256x256xf32> -> vector<256x256xf32>
    %add3A_371 = arith.addf %dot_general3A_358, %dot_general3A_370 : vector<256x256xf32>
    %get3A_372 = arith.constant 40 : index
    %get3A_373 = arith.constant 0 : index
    %get3A_374 = vector.load %arg16[%get3A_372, %get3A_373] : memref<304x256xf32, #tpu.memory_space<vmem>>, vector<256x256xf32>
    %get3A_375 = arith.constant 6 : index
    %get3A_376 = arith.constant 0 : index
    %get3A_377 = arith.constant 0 : index
    %get3A_378 = vector.load %arg3[%get3A_375, %get3A_376, %get3A_377] : memref<9x256x256xf32, #tpu.memory_space<vmem>>, vector<1x256x256xf32>
    %get3A_379 = vector.shape_cast %get3A_378 : vector<1x256x256xf32> to vector<256x256xf32>
    %convert_element_type3A_380 = arith.truncf %get3A_374 : vector<256x256xf32> to vector<256x256xbf16>
    %convert_element_type3A_381 = arith.truncf %get3A_379 : vector<256x256xf32> to vector<256x256xbf16>
    %dot_general3A_382 = arith.constant dense<0.000000e+00> : vector<256x256xf32>
    %dot_general3A_383 = tpu.matmul %convert_element_type3A_380, %convert_element_type3A_381, %dot_general3A_382 {dimension_numbers = #tpu.dot_dimension_numbers<[1], [0], [0], [1], [0, 0, 1, 1], [], []>, transpose_lhs_hint = false} : vector<256x256xbf16>, vector<256x256xbf16>, vector<256x256xf32> -> vector<256x256xf32>
    %add3A_384 = arith.addf %add3A_371, %dot_general3A_383 : vector<256x256xf32>
    %get3A_385 = arith.constant 8 : index
    %get3A_386 = arith.constant 0 : index
    %get3A_387 = vector.load %arg16[%get3A_385, %get3A_386] : memref<304x256xf32, #tpu.memory_space<vmem>>, vector<256x256xf32>
    %get3A_388 = arith.constant 1 : index
    %get3A_389 = arith.constant 0 : index
    %get3A_390 = arith.constant 0 : index
    %get3A_391 = vector.load %arg3[%get3A_388, %get3A_389, %get3A_390] : memref<9x256x256xf32, #tpu.memory_space<vmem>>, vector<1x256x256xf32>
    %get3A_392 = vector.shape_cast %get3A_391 : vector<1x256x256xf32> to vector<256x256xf32>
    %convert_element_type3A_393 = arith.truncf %get3A_387 : vector<256x256xf32> to vector<256x256xbf16>
    %convert_element_type3A_394 = arith.truncf %get3A_392 : vector<256x256xf32> to vector<256x256xbf16>
    %dot_general3A_395 = arith.constant dense<0.000000e+00> : vector<256x256xf32>
    %dot_general3A_396 = tpu.matmul %convert_element_type3A_393, %convert_element_type3A_394, %dot_general3A_395 {dimension_numbers = #tpu.dot_dimension_numbers<[1], [0], [0], [1], [0, 0, 1, 1], [], []>, transpose_lhs_hint = false} : vector<256x256xbf16>, vector<256x256xbf16>, vector<256x256xf32> -> vector<256x256xf32>
    %get3A_397 = arith.constant 24 : index
    %get3A_398 = arith.constant 0 : index
    %get3A_399 = vector.load %arg16[%get3A_397, %get3A_398] : memref<304x256xf32, #tpu.memory_space<vmem>>, vector<256x256xf32>
    %get3A_400 = arith.constant 4 : index
    %get3A_401 = arith.constant 0 : index
    %get3A_402 = arith.constant 0 : index
    %get3A_403 = vector.load %arg3[%get3A_400, %get3A_401, %get3A_402] : memref<9x256x256xf32, #tpu.memory_space<vmem>>, vector<1x256x256xf32>
    %get3A_404 = vector.shape_cast %get3A_403 : vector<1x256x256xf32> to vector<256x256xf32>
    %convert_element_type3A_405 = arith.truncf %get3A_399 : vector<256x256xf32> to vector<256x256xbf16>
    %convert_element_type3A_406 = arith.truncf %get3A_404 : vector<256x256xf32> to vector<256x256xbf16>
    %dot_general3A_407 = arith.constant dense<0.000000e+00> : vector<256x256xf32>
    %dot_general3A_408 = tpu.matmul %convert_element_type3A_405, %convert_element_type3A_406, %dot_general3A_407 {dimension_numbers = #tpu.dot_dimension_numbers<[1], [0], [0], [1], [0, 0, 1, 1], [], []>, transpose_lhs_hint = false} : vector<256x256xbf16>, vector<256x256xbf16>, vector<256x256xf32> -> vector<256x256xf32>
    %add3A_409 = arith.addf %dot_general3A_396, %dot_general3A_408 : vector<256x256xf32>
    %get3A_410 = arith.constant 40 : index
    %get3A_411 = arith.constant 0 : index
    %get3A_412 = vector.load %arg16[%get3A_410, %get3A_411] : memref<304x256xf32, #tpu.memory_space<vmem>>, vector<256x256xf32>
    %get3A_413 = arith.constant 7 : index
    %get3A_414 = arith.constant 0 : index
    %get3A_415 = arith.constant 0 : index
    %get3A_416 = vector.load %arg3[%get3A_413, %get3A_414, %get3A_415] : memref<9x256x256xf32, #tpu.memory_space<vmem>>, vector<1x256x256xf32>
    %get3A_417 = vector.shape_cast %get3A_416 : vector<1x256x256xf32> to vector<256x256xf32>
    %convert_element_type3A_418 = arith.truncf %get3A_412 : vector<256x256xf32> to vector<256x256xbf16>
    %convert_element_type3A_419 = arith.truncf %get3A_417 : vector<256x256xf32> to vector<256x256xbf16>
    %dot_general3A_420 = arith.constant dense<0.000000e+00> : vector<256x256xf32>
    %dot_general3A_421 = tpu.matmul %convert_element_type3A_418, %convert_element_type3A_419, %dot_general3A_420 {dimension_numbers = #tpu.dot_dimension_numbers<[1], [0], [0], [1], [0, 0, 1, 1], [], []>, transpose_lhs_hint = false} : vector<256x256xbf16>, vector<256x256xbf16>, vector<256x256xf32> -> vector<256x256xf32>
    %add3A_422 = arith.addf %add3A_409, %dot_general3A_421 : vector<256x256xf32>
    %get3A_423 = arith.constant 8 : index
    %get3A_424 = arith.constant 0 : index
    %get3A_425 = vector.load %arg16[%get3A_423, %get3A_424] : memref<304x256xf32, #tpu.memory_space<vmem>>, vector<256x256xf32>
    %get3A_426 = arith.constant 2 : index
    %get3A_427 = arith.constant 0 : index
    %get3A_428 = arith.constant 0 : index
    %get3A_429 = vector.load %arg3[%get3A_426, %get3A_427, %get3A_428] : memref<9x256x256xf32, #tpu.memory_space<vmem>>, vector<1x256x256xf32>
    %get3A_430 = vector.shape_cast %get3A_429 : vector<1x256x256xf32> to vector<256x256xf32>
    %convert_element_type3A_431 = arith.truncf %get3A_425 : vector<256x256xf32> to vector<256x256xbf16>
    %convert_element_type3A_432 = arith.truncf %get3A_430 : vector<256x256xf32> to vector<256x256xbf16>
    %dot_general3A_433 = arith.constant dense<0.000000e+00> : vector<256x256xf32>
    %dot_general3A_434 = tpu.matmul %convert_element_type3A_431, %convert_element_type3A_432, %dot_general3A_433 {dimension_numbers = #tpu.dot_dimension_numbers<[1], [0], [0], [1], [0, 0, 1, 1], [], []>, transpose_lhs_hint = false} : vector<256x256xbf16>, vector<256x256xbf16>, vector<256x256xf32> -> vector<256x256xf32>
    %get3A_435 = arith.constant 24 : index
    %get3A_436 = arith.constant 0 : index
    %get3A_437 = vector.load %arg16[%get3A_435, %get3A_436] : memref<304x256xf32, #tpu.memory_space<vmem>>, vector<256x256xf32>
    %get3A_438 = arith.constant 5 : index
    %get3A_439 = arith.constant 0 : index
    %get3A_440 = arith.constant 0 : index
    %get3A_441 = vector.load %arg3[%get3A_438, %get3A_439, %get3A_440] : memref<9x256x256xf32, #tpu.memory_space<vmem>>, vector<1x256x256xf32>
    %get3A_442 = vector.shape_cast %get3A_441 : vector<1x256x256xf32> to vector<256x256xf32>
    %convert_element_type3A_443 = arith.truncf %get3A_437 : vector<256x256xf32> to vector<256x256xbf16>
    %convert_element_type3A_444 = arith.truncf %get3A_442 : vector<256x256xf32> to vector<256x256xbf16>
    %dot_general3A_445 = arith.constant dense<0.000000e+00> : vector<256x256xf32>
    %dot_general3A_446 = tpu.matmul %convert_element_type3A_443, %convert_element_type3A_444, %dot_general3A_445 {dimension_numbers = #tpu.dot_dimension_numbers<[1], [0], [0], [1], [0, 0, 1, 1], [], []>, transpose_lhs_hint = false} : vector<256x256xbf16>, vector<256x256xbf16>, vector<256x256xf32> -> vector<256x256xf32>
    %add3A_447 = arith.addf %dot_general3A_434, %dot_general3A_446 : vector<256x256xf32>
    %get3A_448 = arith.constant 40 : index
    %get3A_449 = arith.constant 0 : index
    %get3A_450 = vector.load %arg16[%get3A_448, %get3A_449] : memref<304x256xf32, #tpu.memory_space<vmem>>, vector<256x256xf32>
    %get3A_451 = arith.constant 8 : index
    %get3A_452 = arith.constant 0 : index
    %get3A_453 = arith.constant 0 : index
    %get3A_454 = vector.load %arg3[%get3A_451, %get3A_452, %get3A_453] : memref<9x256x256xf32, #tpu.memory_space<vmem>>, vector<1x256x256xf32>
    %get3A_455 = vector.shape_cast %get3A_454 : vector<1x256x256xf32> to vector<256x256xf32>
    %convert_element_type3A_456 = arith.truncf %get3A_450 : vector<256x256xf32> to vector<256x256xbf16>
    %convert_element_type3A_457 = arith.truncf %get3A_455 : vector<256x256xf32> to vector<256x256xbf16>
    %dot_general3A_458 = arith.constant dense<0.000000e+00> : vector<256x256xf32>
    %dot_general3A_459 = tpu.matmul %convert_element_type3A_456, %convert_element_type3A_457, %dot_general3A_458 {dimension_numbers = #tpu.dot_dimension_numbers<[1], [0], [0], [1], [0, 0, 1, 1], [], []>, transpose_lhs_hint = false} : vector<256x256xbf16>, vector<256x256xbf16>, vector<256x256xf32> -> vector<256x256xf32>
    %add3A_460 = arith.addf %add3A_447, %dot_general3A_459 : vector<256x256xf32>
    %iota3A_461 = tpu.iota {dimensions = array<i32: 0>} : vector<256x1xi32>
    %jit3A_462 = arith.constant 16 : i32
    %eq3A_463 = arith.constant 0 : i32
    %eq3A_464 = arith.cmpi eq, %jit3A_462, %eq3A_463 : i32
    %jit3A_465 = arith.constant 1 : i32
    %select_n3A_466 = arith.select %eq3A_464, %jit3A_465, %jit3A_462 : i32
    %rem3A_467 = vector.broadcast %select_n3A_466 : i32 to vector<256x1xi32>
    %rem3A_468 = arith.remsi %iota3A_461, %rem3A_467 : vector<256x1xi32>
    %ne3A_469 = arith.constant 0 : i32
    %ne3A_470 = vector.broadcast %ne3A_469 : i32 to vector<256x1xi32>
    %ne3A_471 = arith.cmpi ne, %rem3A_468, %ne3A_470 : vector<256x1xi32>
    %lt3A_472 = arith.constant 0 : i32
    %lt3A_473 = vector.broadcast %lt3A_472 : i32 to vector<256x1xi32>
    %lt3A_474 = arith.cmpi slt, %rem3A_468, %lt3A_473 : vector<256x1xi32>
    %lt3A_475 = arith.constant 0 : i32
    %lt3A_476 = arith.cmpi slt, %select_n3A_466, %lt3A_475 : i32
    %ne3A_477 = vector.broadcast %lt3A_476 : i1 to vector<256x1xi1>
    %ne3A_478 = vector.broadcast %ne3A_477 : vector<256x1xi1> to vector<256x1xi1>
    %ne3A_479 = arith.xori %lt3A_474, %ne3A_478 : vector<256x1xi1>
    %and3A_480 = arith.andi %ne3A_479, %ne3A_471 : vector<256x1xi1>
    %add3A_481 = vector.broadcast %select_n3A_466 : i32 to vector<256x1xi32>
    %add3A_482 = arith.addi %rem3A_468, %add3A_481 : vector<256x1xi32>
    %select_n3A_483 = arith.select %and3A_480, %add3A_482, %rem3A_468 : vector<256x1xi1>, vector<256x1xi32>
    %ne3A_484 = arith.constant 0 : i32
    %ne3A_485 = vector.broadcast %ne3A_484 : i32 to vector<256x1xi32>
    %ne3A_486 = arith.cmpi ne, %select_n3A_483, %ne3A_485 : vector<256x1xi32>
    %jit3A_487 = arith.constant 1.000000e+00 : f32
    %jit3A_488 = arith.constant 0.000000e+00 : f32
    %broadcast_in_dim3A_489 = vector.broadcast %jit3A_487 : f32 to vector<256x1xf32>
    %broadcast_in_dim3A_490 = vector.broadcast %jit3A_488 : f32 to vector<256x1xf32>
    %select_n3A_491 = arith.select %ne3A_486, %broadcast_in_dim3A_489, %broadcast_in_dim3A_490 : vector<256x1xi1>, vector<256x1xf32>
    %roll3A_492 = arith.constant 1 : i32
    %roll3A_493 = tpu.dynamic_rotate %add3A_384 by %roll3A_492 dim 0 : vector<256x256xf32>, i32 -> vector<256x256xf32>
    %mul3A_494 = vector.broadcast %select_n3A_491 : vector<256x1xf32> to vector<256x256xf32>
    %mul3A_495 = arith.mulf %mul3A_494, %roll3A_493 : vector<256x256xf32>
    %add3A_496 = arith.addf %add3A_422, %mul3A_495 : vector<256x256xf32>
    %ne3A_497 = arith.constant 15 : i32
    %ne3A_498 = vector.broadcast %ne3A_497 : i32 to vector<256x1xi32>
    %ne3A_499 = arith.cmpi ne, %select_n3A_483, %ne3A_498 : vector<256x1xi32>
    %jit3A_500 = arith.constant 1.000000e+00 : f32
    %jit3A_501 = arith.constant 0.000000e+00 : f32
    %broadcast_in_dim3A_502 = vector.broadcast %jit3A_500 : f32 to vector<256x1xf32>
    %broadcast_in_dim3A_503 = vector.broadcast %jit3A_501 : f32 to vector<256x1xf32>
    %select_n3A_504 = arith.select %ne3A_499, %broadcast_in_dim3A_502, %broadcast_in_dim3A_503 : vector<256x1xi1>, vector<256x1xf32>
    %roll3A_505 = arith.constant 255 : i32
    %roll3A_506 = tpu.dynamic_rotate %add3A_460 by %roll3A_505 dim 0 : vector<256x256xf32>, i32 -> vector<256x256xf32>
    %mul3A_507 = vector.broadcast %select_n3A_504 : vector<256x1xf32> to vector<256x256xf32>
    %mul3A_508 = arith.mulf %mul3A_507, %roll3A_506 : vector<256x256xf32>
    %add3A_509 = arith.addf %add3A_496, %mul3A_508 : vector<256x256xf32>
    %add3A_510 = vector.broadcast %get3A_346 : vector<1x256xf32> to vector<256x256xf32>
    %add3A_511 = arith.addf %add3A_509, %add3A_510 : vector<256x256xf32>
    %mul3A_512 = arith.mulf %add3A_511, %add3A_511 : vector<256x256xf32>
    %reduce_sum3A_513 = arith.constant dense<0.000000e+00> : vector<256xf32>
    %reduce_sum3A_514 = vector.multi_reduction <add>, %mul3A_512, %reduce_sum3A_513 [1] : vector<256x256xf32> to vector<256xf32>
    %broadcast_in_dim3A_515 = vector.shape_cast %reduce_sum3A_514 : vector<256xf32> to vector<256x1xf32>
    %get3A_516 = arith.constant 0 : index
    %get3A_517 = arith.constant 0 : index
    %get3A_518 = vector.load %arg11[%get3A_516, %get3A_517] : memref<1x512xf32, #tpu.memory_space<vmem>>, vector<1x512xf32>
    %add3A_519 = vector.broadcast %broadcast_in_dim3A_515 : vector<256x1xf32> to vector<256x512xf32>
    %add3A_520 = vector.broadcast %get3A_518 : vector<1x512xf32> to vector<256x512xf32>
    %add3A_521 = arith.addf %add3A_519, %add3A_520 : vector<256x512xf32>
    %get3A_522 = arith.constant 0 : index
    %get3A_523 = arith.constant 0 : index
    %get3A_524 = vector.load %arg10[%get3A_522, %get3A_523] : memref<256x512xf32, #tpu.memory_space<vmem>>, vector<256x512xf32>
    %convert_element_type3A_525 = arith.truncf %add3A_511 : vector<256x256xf32> to vector<256x256xbf16>
    %convert_element_type3A_526 = arith.truncf %get3A_524 : vector<256x512xf32> to vector<256x512xbf16>
    %dot_general3A_527 = arith.constant dense<0.000000e+00> : vector<256x512xf32>
    %dot_general3A_528 = tpu.matmul %convert_element_type3A_525, %convert_element_type3A_526, %dot_general3A_527 {dimension_numbers = #tpu.dot_dimension_numbers<[1], [0], [0], [1], [0, 0, 1, 1], [], []>, transpose_lhs_hint = false} : vector<256x256xbf16>, vector<256x512xbf16>, vector<256x512xf32> -> vector<256x512xf32>
    %mul3A_529 = arith.constant 2.000000e+00 : f32
    %mul3A_530 = vector.broadcast %mul3A_529 : f32 to vector<256x512xf32>
    %mul3A_531 = arith.mulf %mul3A_530, %dot_general3A_528 : vector<256x512xf32>
    %sub3A_532 = arith.subf %add3A_521, %mul3A_531 : vector<256x512xf32>
    %reduce_min3A = arith.constant dense<0x7F800000> : vector<256xf32>
    %reduce_min3A_533 = vector.multi_reduction <minimumf>, %sub3A_532, %reduce_min3A [1] : vector<256x512xf32> to vector<256xf32>
    %broadcast_in_dim3A_534 = vector.shape_cast %reduce_min3A_533 : vector<256xf32> to vector<256x1xf32>
    %iota3A_535 = tpu.iota {dimensions = array<i32: 1>} : vector<256x512xi32>
    %eq3A_536 = vector.broadcast %broadcast_in_dim3A_534 : vector<256x1xf32> to vector<256x512xf32>
    %eq3A_537 = arith.cmpf oeq, %sub3A_532, %eq3A_536 : vector<256x512xf32>
    %jit3A_538 = arith.constant 512 : i32
    %broadcast_in_dim3A_539 = vector.broadcast %jit3A_538 : i32 to vector<256x512xi32>
    %select_n3A_540 = arith.select %eq3A_537, %iota3A_535, %broadcast_in_dim3A_539 : vector<256x512xi1>, vector<256x512xi32>
    %reduce_min3A_541 = arith.constant dense<2147483647> : vector<256xi32>
    %reduce_min3A_542 = vector.multi_reduction <minsi>, %select_n3A_540, %reduce_min3A_541 [1] : vector<256x512xi32> to vector<256xi32>
    %iota3A_543 = tpu.iota {dimensions = array<i32: 1>} : vector<256x512xi32>
    %broadcast_in_dim3A_544 = vector.shape_cast %reduce_min3A_542 : vector<256xi32> to vector<256x1xi32>
    %eq3A_545 = vector.broadcast %broadcast_in_dim3A_544 : vector<256x1xi32> to vector<256x512xi32>
    %eq3A_546 = arith.cmpi eq, %iota3A_543, %eq3A_545 : vector<256x512xi32>
    %convert_element_type3A_547 = arith.extui %eq3A_546 : vector<256x512xi1> to vector<256x512xi32>
    %convert_element_type3A_548 = arith.sitofp %convert_element_type3A_547 : vector<256x512xi32> to vector<256x512xf32>
    %get3A_549 = arith.constant 0 : index
    %get3A_550 = arith.constant 0 : index
    %get3A_551 = vector.load %arg12[%get3A_549, %get3A_550] : memref<8x512xf32, #tpu.memory_space<vmem>>, vector<8x512xf32>
    %slice3A = vector.extract_strided_slice %get3A_551 {offsets = [0, 0], sizes = [1, 512], strides = [1, 1]} : vector<8x512xf32> to vector<1x512xf32>
    %mul3A_552 = vector.broadcast %slice3A : vector<1x512xf32> to vector<256x512xf32>
    %mul3A_553 = arith.mulf %convert_element_type3A_548, %mul3A_552 : vector<256x512xf32>
    %reduce_sum3A_554 = vector.shape_cast %mul3A_553 : vector<256x512xf32> to vector<1x256x512xf32>
    %reduce_sum3A_555 = arith.constant dense<0.000000e+00> : vector<1xf32>
    %reduce_sum3A_556 = vector.multi_reduction <add>, %reduce_sum3A_554, %reduce_sum3A_555 [1, 2] : vector<1x256x512xf32> to vector<1xf32>
    %reduce_sum3A_557 = vector.shape_cast %reduce_sum3A_556 : vector<1xf32> to vector<1x1x1xf32>
    %reduce_sum3A_558 = vector.extract %reduce_sum3A_557[0, 0, 0] : f32 from vector<1x1x1xf32>
    %reduce_sum3A_559 = vector.shape_cast %broadcast_in_dim3A_534 : vector<256x1xf32> to vector<1x256x1xf32>
    %reduce_sum3A_560 = arith.constant dense<0.000000e+00> : vector<1xf32>
    %reduce_sum3A_561 = vector.multi_reduction <add>, %reduce_sum3A_559, %reduce_sum3A_560 [1, 2] : vector<1x256x1xf32> to vector<1xf32>
    %reduce_sum3A_562 = vector.shape_cast %reduce_sum3A_561 : vector<1xf32> to vector<1x1x1xf32>
    %reduce_sum3A_563 = vector.extract %reduce_sum3A_562[0, 0, 0] : f32 from vector<1x1x1xf32>
    %mul3A_564 = arith.constant 2.000000e+00 : f32
    %mul3A_565 = arith.mulf %mul3A_564, %reduce_sum3A_563 : f32
    %add3A_566 = arith.addf %mul3A_565, %reduce_sum3A_558 : f32
    %slice3A_567 = vector.extract_strided_slice %get3A_551 {offsets = [1, 0], sizes = [1, 512], strides = [1, 1]} : vector<8x512xf32> to vector<1x512xf32>
    %mul3A_568 = vector.broadcast %slice3A_567 : vector<1x512xf32> to vector<256x512xf32>
    %mul3A_569 = arith.mulf %convert_element_type3A_548, %mul3A_568 : vector<256x512xf32>
    %reduce_sum3A_570 = arith.constant dense<0.000000e+00> : vector<256xf32>
    %reduce_sum3A_571 = vector.multi_reduction <add>, %mul3A_569, %reduce_sum3A_570 [1] : vector<256x512xf32> to vector<256xf32>
    %convert_element_type3A_572 = arith.fptosi %reduce_sum3A_571 : vector<256xf32> to vector<256xi32>
    %slice3A_573 = vector.extract_strided_slice %get3A_551 {offsets = [2, 0], sizes = [1, 512], strides = [1, 1]} : vector<8x512xf32> to vector<1x512xf32>
    %mul3A_574 = vector.broadcast %slice3A_573 : vector<1x512xf32> to vector<256x512xf32>
    %mul3A_575 = arith.mulf %convert_element_type3A_548, %mul3A_574 : vector<256x512xf32>
    %reduce_sum3A_576 = arith.constant dense<0.000000e+00> : vector<256xf32>
    %reduce_sum3A_577 = vector.multi_reduction <add>, %mul3A_575, %reduce_sum3A_576 [1] : vector<256x512xf32> to vector<256xf32>
    %convert_element_type3A_578 = arith.fptosi %reduce_sum3A_577 : vector<256xf32> to vector<256xi32>
    %slice3A_579 = vector.extract_strided_slice %get3A_551 {offsets = [3, 0], sizes = [1, 512], strides = [1, 1]} : vector<8x512xf32> to vector<1x512xf32>
    %mul3A_580 = vector.broadcast %slice3A_579 : vector<1x512xf32> to vector<256x512xf32>
    %mul3A_581 = arith.mulf %convert_element_type3A_548, %mul3A_580 : vector<256x512xf32>
    %reduce_sum3A_582 = arith.constant dense<0.000000e+00> : vector<256xf32>
    %reduce_sum3A_583 = vector.multi_reduction <add>, %mul3A_581, %reduce_sum3A_582 [1] : vector<256x512xf32> to vector<256xf32>
    %convert_element_type3A_584 = arith.fptosi %reduce_sum3A_583 : vector<256xf32> to vector<256xi32>
    %reshape3A = vector.shape_cast %reduce_min3A_542 : vector<256xi32> to vector<1x256xi32>
    %reshape3A_585 = vector.shape_cast %convert_element_type3A_572 : vector<256xi32> to vector<1x256xi32>
    %reshape3A_586 = vector.shape_cast %convert_element_type3A_578 : vector<256xi32> to vector<1x256xi32>
    %reshape3A_587 = vector.shape_cast %convert_element_type3A_584 : vector<256xi32> to vector<1x256xi32>
    %broadcast_in_dim3A_588 = arith.constant 0 : i32
    %broadcast_in_dim3A_589 = vector.broadcast %broadcast_in_dim3A_588 : i32 to vector<4x256xi32>
    %concatenate3A = tpu.concatenate %reshape3A, %reshape3A_585, %reshape3A_586, %reshape3A_587, %broadcast_in_dim3A_589 in 0 : vector<1x256xi32>, vector<1x256xi32>, vector<1x256xi32>, vector<1x256xi32>, vector<4x256xi32> -> vector<8x256xi32>
    %swap3A_590 = arith.constant 0 : index
    %swap3A_591 = arith.constant 0 : index
    %swap3A_592 = arith.constant 0 : index
    %swap3A_593 = vector.load %arg13[%swap3A_590, %swap3A_591, %swap3A_592] : memref<1x8x256xi32, #tpu.memory_space<vmem>>, vector<1x8x256xi32>
    %swap3A_594 = vector.shape_cast %swap3A_593 : vector<1x8x256xi32> to vector<8x256xi32>
    %swap3A_595 = vector.shape_cast %concatenate3A : vector<8x256xi32> to vector<1x8x256xi32>
    tpu.vector_store %arg13[%swap3A_590, %swap3A_591, %swap3A_592], %swap3A_595 {strides = array<i32>} : memref<1x8x256xi32, #tpu.memory_space<vmem>>, vector<1x8x256xi32>,
    %eq3A_596 = arith.constant 0 : i32
    %eq3A_597 = arith.cmpi eq, %arg0, %eq3A_596 : i32
    %convert_element_type3A_598 = arith.extui %eq3A_597 : i1 to i32
    %cond3A = arith.constant 0 : i32
    %cond3A_599 = arith.cmpi ne, %convert_element_type3A_598, %cond3A : i32
    scf.if %cond3A_599 {
      %swap3A_605 = arith.constant 0 : index
      %swap3A_606 = arith.constant 0 : index
      %swap3A_607 = memref.load %arg14[%swap3A_605, %swap3A_606] : memref<1x1xf32, #tpu.memory_space<smem>>
      memref.store %add3A_566, %arg14[%swap3A_605, %swap3A_606] : memref<1x1xf32, #tpu.memory_space<smem>>
    } else {
    }
    %ne3A_600 = arith.constant 0 : i32
    %ne3A_601 = arith.cmpi ne, %arg0, %ne3A_600 : i32
    %convert_element_type3A_602 = arith.extui %ne3A_601 : i1 to i32
    %cond3A_603 = arith.constant 0 : i32
    %cond3A_604 = arith.cmpi ne, %convert_element_type3A_602, %cond3A_603 : i32
    scf.if %cond3A_604 {
      %get3A_605 = arith.constant 0 : index
      %get3A_606 = arith.constant 0 : index
      %get3A_607 = memref.load %arg14[%get3A_605, %get3A_606] : memref<1x1xf32, #tpu.memory_space<smem>>
      %add3A_608 = arith.addf %get3A_607, %add3A_566 : f32
      %swap3A_609 = arith.constant 0 : index
      %swap3A_610 = arith.constant 0 : index
      %swap3A_611 = memref.load %arg14[%swap3A_609, %swap3A_610] : memref<1x1xf32, #tpu.memory_space<smem>>
      memref.store %add3A_608, %arg14[%swap3A_609, %swap3A_610] : memref<1x1xf32, #tpu.memory_space<smem>>
    } else {
    }
    return
  }
  func.func @transform_0(%arg0: i32) -> (i32, i32, i32) {
    %c0_i32 = arith.constant 0 : i32
    %c0_i32_0 = arith.constant 0 : i32
    %c0_i32_1 = arith.constant 0 : i32
    return %arg0, %c0_i32, %c0_i32_0 : i32, i32, i32
  }
  func.func @transform_1(%arg0: i32) -> (i32, i32, i32) {
    %c0_i32 = arith.constant 0 : i32
    %c0_i32_0 = arith.constant 0 : i32
    %c0_i32_1 = arith.constant 0 : i32
    %c0_i32_2 = arith.constant 0 : i32
    return %c0_i32, %c0_i32_0, %c0_i32_1 : i32, i32, i32
  }
  func.func @transform_2(%arg0: i32) -> (i32, i32, i32) {
    %c0_i32 = arith.constant 0 : i32
    %c0_i32_0 = arith.constant 0 : i32
    %c0_i32_1 = arith.constant 0 : i32
    %c0_i32_2 = arith.constant 0 : i32
    return %c0_i32, %c0_i32_0, %c0_i32_1 : i32, i32, i32
  }
  func.func @transform_3(%arg0: i32) -> (i32, i32) {
    %c0_i32 = arith.constant 0 : i32
    %c0_i32_0 = arith.constant 0 : i32
    %c0_i32_1 = arith.constant 0 : i32
    return %c0_i32, %c0_i32_0 : i32, i32
  }
  func.func @transform_4(%arg0: i32) -> (i32, i32) {
    %c0_i32 = arith.constant 0 : i32
    %c0_i32_0 = arith.constant 0 : i32
    %c0_i32_1 = arith.constant 0 : i32
    return %c0_i32, %c0_i32_0 : i32, i32
  }
  func.func @transform_5(%arg0: i32) -> (i32, i32) {
    %c0_i32 = arith.constant 0 : i32
    %c0_i32_0 = arith.constant 0 : i32
    %c0_i32_1 = arith.constant 0 : i32
    return %c0_i32, %c0_i32_0 : i32, i32
  }
  func.func @transform_6(%arg0: i32) -> (i32, i32) {
    %c0_i32 = arith.constant 0 : i32
    %c0_i32_0 = arith.constant 0 : i32
    %c0_i32_1 = arith.constant 0 : i32
    return %c0_i32, %c0_i32_0 : i32, i32
  }
  func.func @transform_7(%arg0: i32) -> (i32, i32) {
    %c0_i32 = arith.constant 0 : i32
    %c0_i32_0 = arith.constant 0 : i32
    %c0_i32_1 = arith.constant 0 : i32
    return %c0_i32, %c0_i32_0 : i32, i32
  }
  func.func @transform_8(%arg0: i32) -> (i32, i32) {
    %c0_i32 = arith.constant 0 : i32
    %c0_i32_0 = arith.constant 0 : i32
    %c0_i32_1 = arith.constant 0 : i32
    return %c0_i32, %c0_i32_0 : i32, i32
  }
  func.func @transform_9(%arg0: i32) -> (i32, i32) {
    %c0_i32 = arith.constant 0 : i32
    %c0_i32_0 = arith.constant 0 : i32
    %c0_i32_1 = arith.constant 0 : i32
    return %c0_i32, %c0_i32_0 : i32, i32
  }
  func.func @transform_10(%arg0: i32) -> (i32, i32) {
    %c0_i32 = arith.constant 0 : i32
    %c0_i32_0 = arith.constant 0 : i32
    %c0_i32_1 = arith.constant 0 : i32
    return %c0_i32, %c0_i32_0 : i32, i32
  }
  func.func @transform_11(%arg0: i32) -> (i32, i32) {
    %c0_i32 = arith.constant 0 : i32
    %c0_i32_0 = arith.constant 0 : i32
    %c0_i32_1 = arith.constant 0 : i32
    return %c0_i32, %c0_i32_0 : i32, i32
  }
  func.func @transform_12(%arg0: i32) -> (i32, i32, i32) {
    %c0_i32 = arith.constant 0 : i32
    %c0_i32_0 = arith.constant 0 : i32
    %c0_i32_1 = arith.constant 0 : i32
    return %arg0, %c0_i32, %c0_i32_0 : i32, i32, i32
  }
  func.func @transform_13(%arg0: i32) -> (i32, i32) {
    %c0_i32 = arith.constant 0 : i32
    %c0_i32_0 = arith.constant 0 : i32
    %c0_i32_1 = arith.constant 0 : i32
    return %c0_i32, %c0_i32_0 : i32, i32
  }
}

module attributes {stable_mosaic.version = 14 : i64} {
  func.func @_tables_body(%arg0: memref<512x256xf32, #tpu.memory_space<vmem>>, %arg1: memref<256x256xf32, #tpu.memory_space<vmem>>, %arg2: memref<128x256xf32, #tpu.memory_space<vmem>>, %arg3: memref<64x256xf32, #tpu.memory_space<vmem>>, %arg4: memref<512x256xf32, #tpu.memory_space<vmem>>, %arg5: memref<256x128xf32, #tpu.memory_space<vmem>>, %arg6: memref<128x64xf32, #tpu.memory_space<vmem>>, %arg7: memref<512x256xf32, #tpu.memory_space<vmem>>, %arg8: memref<512x256xf32, #tpu.memory_space<vmem>>, %arg9: memref<512x256xf32, #tpu.memory_space<vmem>>, %arg10: memref<512x1xf32, #tpu.memory_space<vmem>>, %arg11: memref<512x1xf32, #tpu.memory_space<vmem>>, %arg12: memref<8x512xf32, #tpu.memory_space<vmem>>) attributes {dimension_semantics = [], scalar_prefetch = 0 : i64, scratch_operands = 0 : i64, tpu.core_type = #tpu.core_type<tc>} {
    %get3A = arith.constant 0 : index
    %get3A_0 = arith.constant 0 : index
    %get3A_1 = vector.load %arg0[%get3A, %get3A_0] : memref<512x256xf32, #tpu.memory_space<vmem>>, vector<512x256xf32>
    %get3A_2 = arith.constant 0 : index
    %get3A_3 = arith.constant 0 : index
    %get3A_4 = vector.load %arg1[%get3A_2, %get3A_3] : memref<256x256xf32, #tpu.memory_space<vmem>>, vector<256x256xf32>
    %get3A_5 = arith.constant 0 : index
    %get3A_6 = arith.constant 0 : index
    %get3A_7 = vector.load %arg2[%get3A_5, %get3A_6] : memref<128x256xf32, #tpu.memory_space<vmem>>, vector<128x256xf32>
    %get3A_8 = arith.constant 0 : index
    %get3A_9 = arith.constant 0 : index
    %get3A_10 = vector.load %arg3[%get3A_8, %get3A_9] : memref<64x256xf32, #tpu.memory_space<vmem>>, vector<64x256xf32>
    %mul3A = arith.mulf %get3A_1, %get3A_1 : vector<512x256xf32>
    %reduce_sum3A = arith.constant dense<0.000000e+00> : vector<512xf32>
    %reduce_sum3A_11 = vector.multi_reduction <add>, %mul3A, %reduce_sum3A [1] : vector<512x256xf32> to vector<512xf32>
    %broadcast_in_dim3A = vector.shape_cast %reduce_sum3A_11 : vector<512xf32> to vector<512x1xf32>
    %mul3A_12 = arith.mulf %get3A_4, %get3A_4 : vector<256x256xf32>
    %reduce_sum3A_13 = arith.constant dense<0.000000e+00> : vector<256xf32>
    %reduce_sum3A_14 = vector.multi_reduction <add>, %mul3A_12, %reduce_sum3A_13 [1] : vector<256x256xf32> to vector<256xf32>
    %broadcast_in_dim3A_15 = vector.shape_cast %reduce_sum3A_14 : vector<256xf32> to vector<256x1xf32>
    %mul3A_16 = arith.mulf %get3A_7, %get3A_7 : vector<128x256xf32>
    %reduce_sum3A_17 = arith.constant dense<0.000000e+00> : vector<128xf32>
    %reduce_sum3A_18 = vector.multi_reduction <add>, %mul3A_16, %reduce_sum3A_17 [1] : vector<128x256xf32> to vector<128xf32>
    %broadcast_in_dim3A_19 = vector.shape_cast %reduce_sum3A_18 : vector<128xf32> to vector<128x1xf32>
    %mul3A_20 = arith.mulf %get3A_10, %get3A_10 : vector<64x256xf32>
    %reduce_sum3A_21 = arith.constant dense<0.000000e+00> : vector<64xf32>
    %reduce_sum3A_22 = vector.multi_reduction <add>, %mul3A_20, %reduce_sum3A_21 [1] : vector<64x256xf32> to vector<64xf32>
    %broadcast_in_dim3A_23 = vector.shape_cast %reduce_sum3A_22 : vector<64xf32> to vector<64x1xf32>
    %transpose3A = tpu.transpose %broadcast_in_dim3A_15, [1, 0] : vector<256x1xf32> -> vector<1x256xf32>
    %add3A = vector.broadcast %broadcast_in_dim3A : vector<512x1xf32> to vector<512x256xf32>
    %add3A_24 = vector.broadcast %transpose3A : vector<1x256xf32> to vector<512x256xf32>
    %add3A_25 = arith.addf %add3A, %add3A_24 : vector<512x256xf32>
    %convert_element_type3A = arith.truncf %get3A_1 : vector<512x256xf32> to vector<512x256xbf16>
    %convert_element_type3A_26 = arith.truncf %get3A_4 : vector<256x256xf32> to vector<256x256xbf16>
    %dot_general3A = arith.constant dense<0.000000e+00> : vector<512x256xf32>
    %dot_general3A_27 = tpu.matmul %convert_element_type3A, %convert_element_type3A_26, %dot_general3A {dimension_numbers = #tpu.dot_dimension_numbers<[1], [1], [0], [0], [0, 0, 1, 0], [], []>, transpose_lhs_hint = false} : vector<512x256xbf16>, vector<256x256xbf16>, vector<512x256xf32> -> vector<512x256xf32>
    %mul3A_28 = arith.constant 2.000000e+00 : f32
    %mul3A_29 = vector.broadcast %mul3A_28 : f32 to vector<512x256xf32>
    %mul3A_30 = arith.mulf %mul3A_29, %dot_general3A_27 : vector<512x256xf32>
    %sub3A = arith.subf %add3A_25, %mul3A_30 : vector<512x256xf32>
    %reduce_min3A = arith.constant dense<0x7F800000> : vector<512xf32>
    %reduce_min3A_31 = vector.multi_reduction <minimumf>, %sub3A, %reduce_min3A [1] : vector<512x256xf32> to vector<512xf32>
    %broadcast_in_dim3A_32 = vector.shape_cast %reduce_min3A_31 : vector<512xf32> to vector<512x1xf32>
    %iota3A = tpu.iota {dimensions = array<i32: 1>} : vector<512x256xi32>
    %eq3A = vector.broadcast %broadcast_in_dim3A_32 : vector<512x1xf32> to vector<512x256xf32>
    %eq3A_33 = arith.cmpf oeq, %sub3A, %eq3A : vector<512x256xf32>
    %jit3A = arith.constant 256 : i32
    %broadcast_in_dim3A_34 = vector.broadcast %jit3A : i32 to vector<512x256xi32>
    %select_n3A = arith.select %eq3A_33, %iota3A, %broadcast_in_dim3A_34 : vector<512x256xi1>, vector<512x256xi32>
    %reduce_min3A_35 = arith.constant dense<2147483647> : vector<512xi32>
    %reduce_min3A_36 = vector.multi_reduction <minsi>, %select_n3A, %reduce_min3A_35 [1] : vector<512x256xi32> to vector<512xi32>
    %get3A_37 = arith.constant 0 : index
    %get3A_38 = arith.constant 0 : index
    %get3A_39 = vector.load %arg4[%get3A_37, %get3A_38] : memref<512x256xf32, #tpu.memory_space<vmem>>, vector<512x256xf32>
    %convert_element_type3A_40 = arith.truncf %get3A_39 : vector<512x256xf32> to vector<512x256xbf16>
    %convert_element_type3A_41 = arith.truncf %get3A_1 : vector<512x256xf32> to vector<512x256xbf16>
    %dot_general3A_42 = arith.constant dense<0.000000e+00> : vector<256x256xf32>
    %dot_general3A_43 = tpu.matmul %convert_element_type3A_40, %convert_element_type3A_41, %dot_general3A_42 {dimension_numbers = #tpu.dot_dimension_numbers<[0], [0], [1], [1], [0, 1, 1, 1], [], []>, transpose_lhs_hint = false} : vector<512x256xbf16>, vector<512x256xbf16>, vector<256x256xf32> -> vector<256x256xf32>
    %sub3A_44 = arith.subf %get3A_4, %dot_general3A_43 : vector<256x256xf32>
    %integer_pow3A = arith.mulf %sub3A_44, %sub3A_44 : vector<256x256xf32>
    %reduce_sum3A_45 = arith.constant dense<0.000000e+00> : vector<256xf32>
    %reduce_sum3A_46 = vector.multi_reduction <add>, %integer_pow3A, %reduce_sum3A_45 [1] : vector<256x256xf32> to vector<256xf32>
    %broadcast_in_dim3A_47 = vector.shape_cast %reduce_sum3A_46 : vector<256xf32> to vector<256x1xf32>
    %transpose3A_48 = tpu.transpose %broadcast_in_dim3A_19, [1, 0] : vector<128x1xf32> -> vector<1x128xf32>
    %add3A_49 = vector.broadcast %broadcast_in_dim3A_15 : vector<256x1xf32> to vector<256x128xf32>
    %add3A_50 = vector.broadcast %transpose3A_48 : vector<1x128xf32> to vector<256x128xf32>
    %add3A_51 = arith.addf %add3A_49, %add3A_50 : vector<256x128xf32>
    %convert_element_type3A_52 = arith.truncf %get3A_4 : vector<256x256xf32> to vector<256x256xbf16>
    %convert_element_type3A_53 = arith.truncf %get3A_7 : vector<128x256xf32> to vector<128x256xbf16>
    %dot_general3A_54 = arith.constant dense<0.000000e+00> : vector<256x128xf32>
    %dot_general3A_55 = tpu.matmul %convert_element_type3A_52, %convert_element_type3A_53, %dot_general3A_54 {dimension_numbers = #tpu.dot_dimension_numbers<[1], [1], [0], [0], [0, 0, 1, 0], [], []>, transpose_lhs_hint = false} : vector<256x256xbf16>, vector<128x256xbf16>, vector<256x128xf32> -> vector<256x128xf32>
    %mul3A_56 = arith.constant 2.000000e+00 : f32
    %mul3A_57 = vector.broadcast %mul3A_56 : f32 to vector<256x128xf32>
    %mul3A_58 = arith.mulf %mul3A_57, %dot_general3A_55 : vector<256x128xf32>
    %sub3A_59 = arith.subf %add3A_51, %mul3A_58 : vector<256x128xf32>
    %reduce_min3A_60 = arith.constant dense<0x7F800000> : vector<256xf32>
    %reduce_min3A_61 = vector.multi_reduction <minimumf>, %sub3A_59, %reduce_min3A_60 [1] : vector<256x128xf32> to vector<256xf32>
    %broadcast_in_dim3A_62 = vector.shape_cast %reduce_min3A_61 : vector<256xf32> to vector<256x1xf32>
    %iota3A_63 = tpu.iota {dimensions = array<i32: 1>} : vector<256x128xi32>
    %eq3A_64 = vector.broadcast %broadcast_in_dim3A_62 : vector<256x1xf32> to vector<256x128xf32>
    %eq3A_65 = arith.cmpf oeq, %sub3A_59, %eq3A_64 : vector<256x128xf32>
    %jit3A_66 = arith.constant 128 : i32
    %broadcast_in_dim3A_67 = vector.broadcast %jit3A_66 : i32 to vector<256x128xi32>
    %select_n3A_68 = arith.select %eq3A_65, %iota3A_63, %broadcast_in_dim3A_67 : vector<256x128xi1>, vector<256x128xi32>
    %reduce_min3A_69 = arith.constant dense<2147483647> : vector<256xi32>
    %reduce_min3A_70 = vector.multi_reduction <minsi>, %select_n3A_68, %reduce_min3A_69 [1] : vector<256x128xi32> to vector<256xi32>
    %get3A_71 = arith.constant 0 : index
    %get3A_72 = arith.constant 0 : index
    %get3A_73 = vector.load %arg5[%get3A_71, %get3A_72] : memref<256x128xf32, #tpu.memory_space<vmem>>, vector<256x128xf32>
    %convert_element_type3A_74 = arith.truncf %get3A_73 : vector<256x128xf32> to vector<256x128xbf16>
    %convert_element_type3A_75 = arith.truncf %get3A_4 : vector<256x256xf32> to vector<256x256xbf16>
    %dot_general3A_76 = arith.constant dense<0.000000e+00> : vector<128x256xf32>
    %dot_general3A_77 = tpu.matmul %convert_element_type3A_74, %convert_element_type3A_75, %dot_general3A_76 {dimension_numbers = #tpu.dot_dimension_numbers<[0], [0], [1], [1], [0, 1, 1, 1], [], []>, transpose_lhs_hint = false} : vector<256x128xbf16>, vector<256x256xbf16>, vector<128x256xf32> -> vector<128x256xf32>
    %sub3A_78 = arith.subf %get3A_7, %dot_general3A_77 : vector<128x256xf32>
    %integer_pow3A_79 = arith.mulf %sub3A_78, %sub3A_78 : vector<128x256xf32>
    %reduce_sum3A_80 = arith.constant dense<0.000000e+00> : vector<128xf32>
    %reduce_sum3A_81 = vector.multi_reduction <add>, %integer_pow3A_79, %reduce_sum3A_80 [1] : vector<128x256xf32> to vector<128xf32>
    %broadcast_in_dim3A_82 = vector.shape_cast %reduce_sum3A_81 : vector<128xf32> to vector<128x1xf32>
    %transpose3A_83 = tpu.transpose %broadcast_in_dim3A_23, [1, 0] : vector<64x1xf32> -> vector<1x64xf32>
    %add3A_84 = vector.broadcast %broadcast_in_dim3A_19 : vector<128x1xf32> to vector<128x64xf32>
    %add3A_85 = vector.broadcast %transpose3A_83 : vector<1x64xf32> to vector<128x64xf32>
    %add3A_86 = arith.addf %add3A_84, %add3A_85 : vector<128x64xf32>
    %convert_element_type3A_87 = arith.truncf %get3A_7 : vector<128x256xf32> to vector<128x256xbf16>
    %convert_element_type3A_88 = arith.truncf %get3A_10 : vector<64x256xf32> to vector<64x256xbf16>
    %dot_general3A_89 = arith.constant dense<0.000000e+00> : vector<128x64xf32>
    %dot_general3A_90 = tpu.matmul %convert_element_type3A_87, %convert_element_type3A_88, %dot_general3A_89 {dimension_numbers = #tpu.dot_dimension_numbers<[1], [1], [0], [0], [0, 0, 1, 0], [], []>, transpose_lhs_hint = false} : vector<128x256xbf16>, vector<64x256xbf16>, vector<128x64xf32> -> vector<128x64xf32>
    %mul3A_91 = arith.constant 2.000000e+00 : f32
    %mul3A_92 = vector.broadcast %mul3A_91 : f32 to vector<128x64xf32>
    %mul3A_93 = arith.mulf %mul3A_92, %dot_general3A_90 : vector<128x64xf32>
    %sub3A_94 = arith.subf %add3A_86, %mul3A_93 : vector<128x64xf32>
    %reduce_min3A_95 = arith.constant dense<0x7F800000> : vector<128xf32>
    %reduce_min3A_96 = vector.multi_reduction <minimumf>, %sub3A_94, %reduce_min3A_95 [1] : vector<128x64xf32> to vector<128xf32>
    %broadcast_in_dim3A_97 = vector.shape_cast %reduce_min3A_96 : vector<128xf32> to vector<128x1xf32>
    %iota3A_98 = tpu.iota {dimensions = array<i32: 1>} : vector<128x64xi32>
    %eq3A_99 = vector.broadcast %broadcast_in_dim3A_97 : vector<128x1xf32> to vector<128x64xf32>
    %eq3A_100 = arith.cmpf oeq, %sub3A_94, %eq3A_99 : vector<128x64xf32>
    %jit3A_101 = arith.constant 64 : i32
    %broadcast_in_dim3A_102 = vector.broadcast %jit3A_101 : i32 to vector<128x64xi32>
    %select_n3A_103 = arith.select %eq3A_100, %iota3A_98, %broadcast_in_dim3A_102 : vector<128x64xi1>, vector<128x64xi32>
    %reduce_min3A_104 = arith.constant dense<2147483647> : vector<128xi32>
    %reduce_min3A_105 = vector.multi_reduction <minsi>, %select_n3A_103, %reduce_min3A_104 [1] : vector<128x64xi32> to vector<128xi32>
    %get3A_106 = arith.constant 0 : index
    %get3A_107 = arith.constant 0 : index
    %get3A_108 = vector.load %arg6[%get3A_106, %get3A_107] : memref<128x64xf32, #tpu.memory_space<vmem>>, vector<128x64xf32>
    %convert_element_type3A_109 = arith.truncf %get3A_108 : vector<128x64xf32> to vector<128x64xbf16>
    %convert_element_type3A_110 = arith.truncf %get3A_7 : vector<128x256xf32> to vector<128x256xbf16>
    %dot_general3A_111 = arith.constant dense<0.000000e+00> : vector<64x256xf32>
    %dot_general3A_112 = tpu.matmul %convert_element_type3A_109, %convert_element_type3A_110, %dot_general3A_111 {dimension_numbers = #tpu.dot_dimension_numbers<[0], [0], [1], [1], [0, 1, 1, 1], [], []>, transpose_lhs_hint = false} : vector<128x64xbf16>, vector<128x256xbf16>, vector<64x256xf32> -> vector<64x256xf32>
    %sub3A_113 = arith.subf %get3A_10, %dot_general3A_112 : vector<64x256xf32>
    %integer_pow3A_114 = arith.mulf %sub3A_113, %sub3A_113 : vector<64x256xf32>
    %reduce_sum3A_115 = arith.constant dense<0.000000e+00> : vector<64xf32>
    %reduce_sum3A_116 = vector.multi_reduction <add>, %integer_pow3A_114, %reduce_sum3A_115 [1] : vector<64x256xf32> to vector<64xf32>
    %broadcast_in_dim3A_117 = vector.shape_cast %reduce_sum3A_116 : vector<64xf32> to vector<64x1xf32>
    %broadcast_in_dim3A_118 = vector.shape_cast %reduce_min3A_36 : vector<512xi32> to vector<512x1xi32>
    %iota3A_119 = tpu.iota {dimensions = array<i32: 1>} : vector<512x256xi32>
    %eq3A_120 = vector.broadcast %broadcast_in_dim3A_118 : vector<512x1xi32> to vector<512x256xi32>
    %eq3A_121 = arith.cmpi eq, %iota3A_119, %eq3A_120 : vector<512x256xi32>
    %convert_element_type3A_122 = arith.extui %eq3A_121 : vector<512x256xi1> to vector<512x256xi32>
    %convert_element_type3A_123 = arith.sitofp %convert_element_type3A_122 : vector<512x256xi32> to vector<512x256xf32>
    %broadcast_in_dim3A_124 = vector.shape_cast %reduce_min3A_70 : vector<256xi32> to vector<256x1xi32>
    %convert_element_type3A_125 = arith.sitofp %broadcast_in_dim3A_124 : vector<256x1xi32> to vector<256x1xf32>
    %dot_general3A_126 = arith.constant dense<0.000000e+00> : vector<512x1xf32>
    %dot_general3A_127 = tpu.matmul %convert_element_type3A_123, %convert_element_type3A_125, %dot_general3A_126 {dimension_numbers = #tpu.dot_dimension_numbers<[1], [0], [0], [1], [0, 0, 1, 1], [], []>, precision = #tpu.contract_precision<fp32>, transpose_lhs_hint = false} : vector<512x256xf32>, vector<256x1xf32>, vector<512x1xf32> -> vector<512x1xf32>
    %convert_element_type3A_128 = arith.fptosi %dot_general3A_127 : vector<512x1xf32> to vector<512x1xi32>
    %iota3A_129 = tpu.iota {dimensions = array<i32: 1>} : vector<512x128xi32>
    %eq3A_130 = vector.broadcast %convert_element_type3A_128 : vector<512x1xi32> to vector<512x128xi32>
    %eq3A_131 = arith.cmpi eq, %iota3A_129, %eq3A_130 : vector<512x128xi32>
    %convert_element_type3A_132 = arith.extui %eq3A_131 : vector<512x128xi1> to vector<512x128xi32>
    %convert_element_type3A_133 = arith.sitofp %convert_element_type3A_132 : vector<512x128xi32> to vector<512x128xf32>
    %broadcast_in_dim3A_134 = vector.shape_cast %reduce_min3A_105 : vector<128xi32> to vector<128x1xi32>
    %convert_element_type3A_135 = arith.sitofp %broadcast_in_dim3A_134 : vector<128x1xi32> to vector<128x1xf32>
    %dot_general3A_136 = arith.constant dense<0.000000e+00> : vector<512x1xf32>
    %dot_general3A_137 = tpu.matmul %convert_element_type3A_133, %convert_element_type3A_135, %dot_general3A_136 {dimension_numbers = #tpu.dot_dimension_numbers<[1], [0], [0], [1], [0, 0, 1, 1], [], []>, precision = #tpu.contract_precision<fp32>, transpose_lhs_hint = false} : vector<512x128xf32>, vector<128x1xf32>, vector<512x1xf32> -> vector<512x1xf32>
    %convert_element_type3A_138 = arith.fptosi %dot_general3A_137 : vector<512x1xf32> to vector<512x1xi32>
    %iota3A_139 = tpu.iota {dimensions = array<i32: 1>} : vector<512x64xi32>
    %eq3A_140 = vector.broadcast %convert_element_type3A_138 : vector<512x1xi32> to vector<512x64xi32>
    %eq3A_141 = arith.cmpi eq, %iota3A_139, %eq3A_140 : vector<512x64xi32>
    %convert_element_type3A_142 = arith.extui %eq3A_141 : vector<512x64xi1> to vector<512x64xi32>
    %convert_element_type3A_143 = arith.sitofp %convert_element_type3A_142 : vector<512x64xi32> to vector<512x64xf32>
    %dot_general3A_144 = arith.constant dense<0.000000e+00> : vector<512x256xf32>
    %dot_general3A_145 = tpu.matmul %convert_element_type3A_123, %get3A_4, %dot_general3A_144 {dimension_numbers = #tpu.dot_dimension_numbers<[1], [0], [0], [1], [0, 0, 1, 1], [], []>, precision = #tpu.contract_precision<fp32>, transpose_lhs_hint = false} : vector<512x256xf32>, vector<256x256xf32>, vector<512x256xf32> -> vector<512x256xf32>
    %swap3A = arith.constant 0 : index
    %swap3A_146 = arith.constant 0 : index
    %swap3A_147 = vector.load %arg7[%swap3A, %swap3A_146] : memref<512x256xf32, #tpu.memory_space<vmem>>, vector<512x256xf32>
    tpu.vector_store %arg7[%swap3A, %swap3A_146], %dot_general3A_145 {strides = array<i32>} : memref<512x256xf32, #tpu.memory_space<vmem>>, vector<512x256xf32>,
    %dot_general3A_148 = arith.constant dense<0.000000e+00> : vector<512x256xf32>
    %dot_general3A_149 = tpu.matmul %convert_element_type3A_133, %get3A_7, %dot_general3A_148 {dimension_numbers = #tpu.dot_dimension_numbers<[1], [0], [0], [1], [0, 0, 1, 1], [], []>, precision = #tpu.contract_precision<fp32>, transpose_lhs_hint = false} : vector<512x128xf32>, vector<128x256xf32>, vector<512x256xf32> -> vector<512x256xf32>
    %swap3A_150 = arith.constant 0 : index
    %swap3A_151 = arith.constant 0 : index
    %swap3A_152 = vector.load %arg8[%swap3A_150, %swap3A_151] : memref<512x256xf32, #tpu.memory_space<vmem>>, vector<512x256xf32>
    tpu.vector_store %arg8[%swap3A_150, %swap3A_151], %dot_general3A_149 {strides = array<i32>} : memref<512x256xf32, #tpu.memory_space<vmem>>, vector<512x256xf32>,
    %dot_general3A_153 = arith.constant dense<0.000000e+00> : vector<512x256xf32>
    %dot_general3A_154 = tpu.matmul %convert_element_type3A_143, %get3A_10, %dot_general3A_153 {dimension_numbers = #tpu.dot_dimension_numbers<[1], [0], [0], [1], [0, 0, 1, 1], [], []>, precision = #tpu.contract_precision<fp32>, transpose_lhs_hint = false} : vector<512x64xf32>, vector<64x256xf32>, vector<512x256xf32> -> vector<512x256xf32>
    %swap3A_155 = arith.constant 0 : index
    %swap3A_156 = arith.constant 0 : index
    %swap3A_157 = vector.load %arg9[%swap3A_155, %swap3A_156] : memref<512x256xf32, #tpu.memory_space<vmem>>, vector<512x256xf32>
    tpu.vector_store %arg9[%swap3A_155, %swap3A_156], %dot_general3A_154 {strides = array<i32>} : memref<512x256xf32, #tpu.memory_space<vmem>>, vector<512x256xf32>,
    %mul3A_158 = arith.constant 2.000000e+00 : f32
    %mul3A_159 = vector.broadcast %mul3A_158 : f32 to vector<512x1xf32>
    %mul3A_160 = arith.mulf %mul3A_159, %broadcast_in_dim3A_32 : vector<512x1xf32>
    %mul3A_161 = arith.constant 2.000000e+00 : f32
    %mul3A_162 = vector.broadcast %mul3A_161 : f32 to vector<256x1xf32>
    %mul3A_163 = arith.mulf %mul3A_162, %broadcast_in_dim3A_62 : vector<256x1xf32>
    %add3A_164 = arith.addf %broadcast_in_dim3A_47, %mul3A_163 : vector<256x1xf32>
    %dot_general3A_165 = arith.constant dense<0.000000e+00> : vector<512x1xf32>
    %dot_general3A_166 = tpu.matmul %convert_element_type3A_123, %add3A_164, %dot_general3A_165 {dimension_numbers = #tpu.dot_dimension_numbers<[1], [0], [0], [1], [0, 0, 1, 1], [], []>, precision = #tpu.contract_precision<fp32>, transpose_lhs_hint = false} : vector<512x256xf32>, vector<256x1xf32>, vector<512x1xf32> -> vector<512x1xf32>
    %add3A_167 = arith.addf %mul3A_160, %dot_general3A_166 : vector<512x1xf32>
    %mul3A_168 = arith.constant 2.000000e+00 : f32
    %mul3A_169 = vector.broadcast %mul3A_168 : f32 to vector<128x1xf32>
    %mul3A_170 = arith.mulf %mul3A_169, %broadcast_in_dim3A_97 : vector<128x1xf32>
    %add3A_171 = arith.addf %broadcast_in_dim3A_82, %mul3A_170 : vector<128x1xf32>
    %dot_general3A_172 = arith.constant dense<0.000000e+00> : vector<512x1xf32>
    %dot_general3A_173 = tpu.matmul %convert_element_type3A_133, %add3A_171, %dot_general3A_172 {dimension_numbers = #tpu.dot_dimension_numbers<[1], [0], [0], [1], [0, 0, 1, 1], [], []>, precision = #tpu.contract_precision<fp32>, transpose_lhs_hint = false} : vector<512x128xf32>, vector<128x1xf32>, vector<512x1xf32> -> vector<512x1xf32>
    %add3A_174 = arith.addf %add3A_167, %dot_general3A_173 : vector<512x1xf32>
    %dot_general3A_175 = arith.constant dense<0.000000e+00> : vector<512x1xf32>
    %dot_general3A_176 = tpu.matmul %convert_element_type3A_143, %broadcast_in_dim3A_117, %dot_general3A_175 {dimension_numbers = #tpu.dot_dimension_numbers<[1], [0], [0], [1], [0, 0, 1, 1], [], []>, precision = #tpu.contract_precision<fp32>, transpose_lhs_hint = false} : vector<512x64xf32>, vector<64x1xf32>, vector<512x1xf32> -> vector<512x1xf32>
    %add3A_177 = arith.addf %add3A_174, %dot_general3A_176 : vector<512x1xf32>
    %swap3A_178 = arith.constant 0 : index
    %swap3A_179 = arith.constant 0 : index
    %swap3A_180 = vector.load %arg10[%swap3A_178, %swap3A_179] : memref<512x1xf32, #tpu.memory_space<vmem>>, vector<512x1xf32>
    tpu.vector_store %arg10[%swap3A_178, %swap3A_179], %add3A_177 {strides = array<i32>} : memref<512x1xf32, #tpu.memory_space<vmem>>, vector<512x1xf32>,
    %swap3A_181 = arith.constant 0 : index
    %swap3A_182 = arith.constant 0 : index
    %swap3A_183 = vector.load %arg11[%swap3A_181, %swap3A_182] : memref<512x1xf32, #tpu.memory_space<vmem>>, vector<512x1xf32>
    tpu.vector_store %arg11[%swap3A_181, %swap3A_182], %broadcast_in_dim3A {strides = array<i32>} : memref<512x1xf32, #tpu.memory_space<vmem>>, vector<512x1xf32>,
    %transpose3A_184 = tpu.transpose %add3A_177, [1, 0] : vector<512x1xf32> -> vector<1x512xf32>
    %convert_element_type3A_185 = arith.sitofp %broadcast_in_dim3A_118 : vector<512x1xi32> to vector<512x1xf32>
    %transpose3A_186 = tpu.transpose %convert_element_type3A_185, [1, 0] : vector<512x1xf32> -> vector<1x512xf32>
    %convert_element_type3A_187 = arith.sitofp %convert_element_type3A_128 : vector<512x1xi32> to vector<512x1xf32>
    %transpose3A_188 = tpu.transpose %convert_element_type3A_187, [1, 0] : vector<512x1xf32> -> vector<1x512xf32>
    %convert_element_type3A_189 = arith.sitofp %convert_element_type3A_138 : vector<512x1xi32> to vector<512x1xf32>
    %transpose3A_190 = tpu.transpose %convert_element_type3A_189, [1, 0] : vector<512x1xf32> -> vector<1x512xf32>
    %broadcast_in_dim3A_191 = arith.constant 0.000000e+00 : f32
    %broadcast_in_dim3A_192 = vector.broadcast %broadcast_in_dim3A_191 : f32 to vector<4x512xf32>
    %concatenate3A = tpu.concatenate %transpose3A_184, %transpose3A_186, %transpose3A_188, %transpose3A_190, %broadcast_in_dim3A_192 in 0 : vector<1x512xf32>, vector<1x512xf32>, vector<1x512xf32>, vector<1x512xf32>, vector<4x512xf32> -> vector<8x512xf32>
    %swap3A_193 = arith.constant 0 : index
    %swap3A_194 = arith.constant 0 : index
    %swap3A_195 = vector.load %arg12[%swap3A_193, %swap3A_194] : memref<8x512xf32, #tpu.memory_space<vmem>>, vector<8x512xf32>
    tpu.vector_store %arg12[%swap3A_193, %swap3A_194], %concatenate3A {strides = array<i32>} : memref<8x512xf32, #tpu.memory_space<vmem>>, vector<8x512xf32>,
    return
  }
}

</mosaic_0001>

<sc_bundles>
// kernel: kernel.5.cloned.1.call-start
scs
__scs_entry_jumppad:
0x0: {  	(pc) =	sbr.rel $0x88, $3  }
0x1: {  	(tag) =	ssettag $0x0;
	lr =	simm.s32 $0x1  }
0x2: {  	[smem:$0x3F91] =	sst lr;
	_ =	strace $0xD0000000  }
0x3: {  	_ = 	snop  }
0x4: {  	_ = 	snop  }
0x5: {  	_ = 	snop  }
0x6: {  	_ = 	snop  }
0x7: {  	_ = 	snop  }
__scs_overlays_trampoline_lowered:
0x8: {  	[smem:$0x3FA0] =	sst s0  }
0x9: {  	[smem:$0x3FA1] =	sst s1  }
0xa: {  	[smem:$0x3FA2] =	sst s2  }
0xb: {  	[smem:$0x3FA3] =	sst s3  }
0xc: {  	[smem:$0x3FA4] =	sst s4  }
0xd: {  	[smem:$0x3FA5] =	sst s5  }
0xe: {  	[smem:$0x3FA6] =	sst s6  }
0xf: {  	[smem:$0x3FA7] =	sst s7  }
0x10: {  	[smem:$0x3FA8] =	sst s8  }
0x11: {  	[smem:$0x3FA9] =	sst s9;
	s0 =	simm.s32 @!p0 $0x0  }
0x12: {  	s1 =	sld [smem:$0x3F8F];
	s0 =	simm.s32 @p0 $0x1  }
0x13: {  	[smem:$0x3FAA] =	sst s0;
	s0 =	simm.s32 @!p1 $0x0  }
0x14: {  	s2 =	sld [smem:$0x3F8E];
	s0 =	simm.s32 @p1 $0x1  }
0x15: {  	[smem:$0x3FAB] =	sst s0;
	s0 =	simm.s32 @!p2 $0x0  }
0x16: {  	s3 =	sld [smem:$0x3FDB];
	s0 =	simm.s32 @p2 $0x1  }
0x17: {  	s4 =	simm.s32 $0x1BF5;
	[smem:$0x3FAD] =	sst s0  }
0x18: {  	s0 =	sld [smem:$0x3F90];
	_ =	swait.ge [sflag:s4], $0x0  }
0x19: {  	s7 =	sld [smem:$0x3F91]  }
0x1a: {  	s8 =	sadd.s32 $0xFFFFE003, lr  }
0x1b: {  	s9 =	sadd.s32 $0xFFFFFEF7, lr;
	s5 =	simm.s32 $0xFFFFFFFF;
	p2 =	slt.u32 s8, $0xFFFFF086  }
0x1c: {  	p1 =	slt.u32 s9, $0xF7A;
	s5 =	simm.s32 @!p2 $0x0  }
0x1d: {  	s5 =	simm.s32 @p1 $0x1;
	p0 =	seq.s32 s7, s2  }
0x1e: {  	s7 =	smul.u32 @!p0 $0xF7A, s2;
	p2 =	seq.s32 @!p0 s5, $0x0  }
0x1f: {  	s9 =	smul.u32 $0xF7A, s1;
	s8 =	simm.s32 @!p0 $0x1BF5;
	p2 =	por !p2, p0  }
0x20: {  	[sflag:s8] =	ssyncset.s32 @!p0 $0xFFFFF086;
	s6 =	sadd.s32 @!p0 s3, s7;
	s7 =	simm.s32 @!p0 $0x108  }
0x21: {  	s3 =	sadd.s32 s3, s9;
	s6 =	sadd.s32 @!p0 $0x88, s6;
	s7 =	simm.s32 @p2 $0x1082  }
0x22: {  	[simem:s7], [sflag:s8] =	dma.local @!p0 [hbm:s6], $0xF7A  }
0x23: {  	s9 =	sor.u32 $0xD0000000, s2;
	s6 =	simm.s32 $0x108;
	_ =	swait.ge @!p0 [sflag:s8], $0x0  }
0x24: {  	s3 =	sadd.s32 $0x88, s3;
	s6 =	simm.s32 @!p1 $0x1082;
	[sflag:s4] =	ssyncset.s32 $0xFFFFF086  }
0x25: {  	[simem:s6], [sflag:s4] =	dma.local [hbm:s3], $0xF7A  }
0x26: {  	[smem:$0x3F91] =	sst s1;
	(tag) =	ssettag s2;
	_ =	strace s9  }
0x27: {  	s1 =	sld [smem:$0x3FA1]  }
0x28: {  	s2 =	sld [smem:$0x3FA2]  }
0x29: {  	s4 =	sld [smem:$0x3FA4]  }
0x2a: {  	p0 =	seq.s32 s5, $0x0;
	s5 =	sld [smem:$0x3FA5]  }
0x2b: {  	s6 =	sld [smem:$0x3FA6]  }
0x2c: {  	s7 =	sld [smem:$0x3FA7]  }
0x2d: {  	s3 =	simm.s32 $0x108;
	s8 =	sld [smem:$0x3FA8]  }
0x2e: {  	s3 =	simm.s32 @!p0 $0x1082;
	s9 =	sld [smem:$0x3FA9]  }
0x2f: {  	lr =	sadd.s32 s0, s3;
	s0 =	sld [smem:$0x3FA0]  }
0x30: {  	s3 =	sld [smem:$0x3FA3]  }
0x31: {  	[smem:$0x3FAC] =	sst s10  }
0x32: {  	s10 =	sld [smem:$0x3FAA];
	_ =	sdelay $0x3  }
0x33: {  	p0 =	seq.s32 s10, $0x1;
	s10 =	sld [smem:$0x3FAC];
	_ =	sdelay $0x3  }
0x34: {  	[smem:$0x3FAC] =	sst s10  }
0x35: {  	s10 =	sld [smem:$0x3FAB];
	_ =	sdelay $0x3  }
0x36: {  	p1 =	seq.s32 s10, $0x1;
	s10 =	sld [smem:$0x3FAC];
	_ =	sdelay $0x3  }
0x37: {  	[smem:$0x3FAC] =	sst s10  }
0x38: {  	s10 =	sld [smem:$0x3FAD]  }
0x39: {  	_ = 	snop;
	(pc) =	sbr.ind lr, $3  }
0x3a: {  	_ = 	snop  }
0x3b: {  	_ = 	snop  }
0x3c: {  	p2 =	seq.s32 s10, $0x1;
	s10 =	sld [smem:$0x3FAC]  }
0x3d: {  	_ =	shalt  }
0x3e: {  	_ =	shalt  }
0x3f: {  	_ =	shalt  }
0x40: {  	_ =	shalt  }
0x41: {  	_ =	shalt  }
0x42: {  	_ =	shalt  }
0x43: {  	_ =	shalt  }
0x44: {  	_ =	shalt  }
0x45: {  	_ =	shalt  }
0x46: {  	_ =	shalt  }
0x47: {  	_ =	shalt  }
0x48: {  	_ =	shalt  }
0x49: {  	_ =	shalt  }
0x4a: {  	_ =	shalt  }
0x4b: {  	_ =	shalt  }
0x4c: {  	_ =	shalt  }
0x4d: {  	_ =	shalt  }
0x4e: {  	_ =	shalt  }
0x4f: {  	_ =	shalt  }
0x50: {  	_ =	shalt  }
0x51: {  	_ =	shalt  }
0x52: {  	_ =	shalt  }
0x53: {  	_ =	shalt  }
0x54: {  	_ =	shalt  }
0x55: {  	_ =	shalt  }
0x56: {  	_ =	shalt  }
0x57: {  	_ =	shalt  }
0x58: {  	_ =	shalt  }
0x59: {  	_ =	shalt  }
0x5a: {  	_ =	shalt  }
0x5b: {  	_ =	shalt  }
0x5c: {  	_ =	shalt  }
0x5d: {  	_ =	shalt  }
0x5e: {  	_ =	shalt  }
0x5f: {  	_ =	shalt  }
0x60: {  	_ =	shalt  }
0x61: {  	_ =	shalt  }
0x62: {  	_ =	shalt  }
0x63: {  	_ =	shalt  }
0x64: {  	_ =	shalt  }
0x65: {  	_ =	shalt  }
0x66: {  	_ =	shalt  }
0x67: {  	_ =	shalt  }
0x68: {  	_ =	shalt  }
0x69: {  	_ =	shalt  }
0x6a: {  	_ =	shalt  }
0x6b: {  	_ =	shalt  }
0x6c: {  	_ =	shalt  }
0x6d: {  	_ =	shalt  }
0x6e: {  	_ =	shalt  }
0x6f: {  	_ =	shalt  }
0x70: {  	_ =	shalt  }
0x71: {  	_ =	shalt  }
0x72: {  	_ =	shalt  }
0x73: {  	_ =	shalt  }
0x74: {  	_ =	shalt  }
0x75: {  	_ =	shalt  }
0x76: {  	_ =	shalt  }
0x77: {  	_ =	shalt  }
0x78: {  	_ =	shalt  }
0x79: {  	_ =	shalt  }
0x7a: {  	_ =	shalt  }
0x7b: {  	_ =	shalt  }
0x7c: {  	_ =	shalt  }
0x7d: {  	_ =	shalt  }
0x7e: {  	_ =	shalt  }
0x7f: {  	_ =	shalt  }
0x80: {  	_ =	shalt  }
0x81: {  	_ =	shalt  }
0x82: {  	_ =	shalt  }
0x83: {  	_ =	shalt  }
0x84: {  	_ =	shalt  }
0x85: {  	_ =	shalt  }
0x86: {  	_ =	shalt  }
0x87: {  	_ =	shalt  }
.Lfunc_end0:
.L_simem_size_0:
called_computation_lowered:
.L_overlay_start_0:
0x88: {  	s2 =	sld [smem:$0x3FD9]  }
0x89: {  	s3 =	sld [smem:$0x3FFE];
	_ =	sdelay $0x1  }
0x8a: {  	s1 =	srdreg.scid  }
0x8b: {  	s0 =	sand.u32 $0x1, s1  }
0x8c: {  	s14 =	sshll.u32 s0, $0xA;
	s2 =	sadd.s32 s3, s2  }
0x8d: {  	s2 =	sadd.s32 s2, s14  }
0x8e: {  	[smem:$0x3FB8] =	sst s2  }
0x8f: {  	_ = 	snop  }
0x90: {  	s2 =	sld [smem:$0x3FD0];
	_ =	sdelay $0x2  }
0x91: {  	s4 =	simm.s32 $0xA;
	s5 =	simm.s32 $0x10;
	s15 =	sld [smem:$0x3FC0]  }
0x92: {  	[smem:s5], [sflag:s4] =	dma.local [hbm:s2], $0x1  }
0x93: {  	_ =	swait.eq [sflag:s4], $0x1  }
0x94: {  	s16 =	sld [smem:$0x10]  }
0x95: {  	s17 =	sld [smem:$0x11];
	[sflag:s4] =	ssyncset.done $0x0  }
0x96: {  	s6 =	sld [smem:$0x12];
	[sflag:s4] =	ssyncadd.s32 $0xFFFFFFFF  }
0x97: {  	s18 =	sld [smem:$0x13];
	(tm) =	ssettm $0x1  }
0x98: {  	s7 =	sld [smem:$0x3FFB];
	_ =	sdelay $0x3  }
0x99: {  	_ =	strace s7  }
0x9a: {  	s7 =	sld [smem:$0x3FFC];
	_ =	sdelay $0x3  }
0x9b: {  	_ =	strace s7  }
0x9c: {  	s7 =	sld [smem:$0x3FFD];
	_ =	sdelay $0x3  }
0x9d: {  	_ =	strace s7  }
0x9e: {  	_ =	strace $0x8FFFFFFF  }
0x9f: {  	s19 =	sld [smem:$0x3FDB];
	_ =	sdelay $0x1  }
0xa0: {  	s8 =	simm.s32 $_scs_section_size  }
0xa1: {  	s9 =	simm.s32 $_size__tile_overlayer_lowered;
	s10 =	simm.s32 $_tile_overlayer_lowered  }
0xa2: {  	s22 =	simm.s32 $0x1BFF;
	s21 =	sshll.u32 s10, $0x1;
	s7 =	sadd.s32 s8, s19  }
0xa3: {  	s11 =	simm.s32 $0x0;
	s20 =	sshll.u32 s9, $0x1;
	s9 =	sadd.s32 s21, s7  }
0xa4: {  	[timem:s11], [sflag:s22] =	dma.local [hbm:s9], s20  }
0xa5: {  	_ =	swait.ge [sflag:s22], s20  }
0xa6: {  	s8 =	ssub.s32 $0x0, s20;
	[sflag:s22] =	ssyncset.done $0x0  }
0xa7: {  	[sflag:s22] =	ssyncadd.s32 s8;
	_ =	sdelay $0x1  }
0xa8: {  	s23 =	simm.s32 $0x1B8B  }
0xa9: {  	_ =	swait.ge [sflag:s23], $0x1  }
0xaa: {  	[sflag:s23] =	ssyncset.done $0x0  }
0xab: {  	s25 =	simm.s32 $0x1B8E;
	s24 =	sld [smem:$0x3FFE];
	[sflag:s23] =	ssyncadd.s32 $0xFFFFFFFF  }
0xac: {  	s26 =	simm.s32 $execute0_lowered;
	[smem:$0x3FD2] =	sst s25  }
0xad: {  	s9 =	sshll.u32 s26, $0x1;
	_ =	strace $0x80000046;
	[dreg:$0x1] =	wrdreg $0xFFFFFFFF  }
0xae: {  	s28 =	simm.s32 $_size_execute0_lowered;
	s7 =	sadd.s32 s7, s9;
	[dreg:$0x0] =	wrdreg $0x0  }
0xaf: {  	s9 =	sshll.u32 s28, $0x1;
	[dreg:$0x2] =	wrdreg s7  }
0xb0: {  	[dreg:$0x3] =	wrdreg s9  }
0xb1: {  	[dreg:$0x4] =	wrdreg $0xC0  }
0xb2: {  	_ =	task [dreg:s11], $0x5FFFF  }
0xb3: {  	[dreg:$0x1] =	wrdreg $0xFFFFFFFF  }
0xb4: {  	[dreg:$0x0] =	wrdreg $0x60  }
0xb5: {  	[dreg:$0x2] =	wrdreg s15  }
0xb6: {  	[dreg:$0x3] =	wrdreg s24  }
0xb7: {  	[dreg:$0x4] =	wrdreg s16  }
0xb8: {  	[dreg:$0x5] =	wrdreg s17  }
0xb9: {  	[dreg:$0x6] =	wrdreg s6  }
0xba: {  	[dreg:$0x7] =	wrdreg s18  }
0xbb: {  	[dreg:$0x8] =	wrdreg $0x9  }
0xbc: {  	_ =	task.clear_ibuf [dreg:s11], $0x9FFFF;
	_ =	strace $0x90000046  }
0xbd: {  	s29 =	simm.s32 $0x9;
	_ =	strace $0x80000048  }
0xbe: {  	_ =	swait.ge [sflag:s29], $0x1  }
0xbf: {  	[sflag:s29] =	ssyncadd.s32 $0xFFFFFFFF  }
0xc0: {  	_ =	strace $0x90000048  }
0xc1: {  	_ =	sfence  }
0xc2: {  	s30 =	sld [smem:$0x0];
	_ =	sdelay $0x2  }
0xc3: {  	s31 =	sshll.u32 s1, $0xD;
	s1 =	sshrl.u32 s1, $0x2  }
0xc4: {  	s3 =	sand.u32 $0x4000, s31;
	s1 =	sadd.s32 s1, s30  }
0xc5: {  	s0 =	sor.u32 s3, s0;
	s1 =	sshll.u32 s1, $0x11  }
0xc6: {  	s0 =	sor.u32 s1, s0  }
0xc7: {  	s0 =	sadd.s32 $0x8F2B, s0  }
0xc8: {  	[sflag:s0] =	ssyncadd.remote.s32 $0x1  }
0xc9: {  	_ =	sfence.sel $0xFFFF  }
0xca: {  	[dreg:$0x0] =	wrdreg $0xFFFFFFFF;
	(pc) =	sbr.abs _section_cstart, $3  }
0xcb: {  	[dreg:$0x1] =	wrdreg $0xFFFFFFFF  }
0xcc: {  	_ =	task.clear_ibuf [dreg:s11], $0x2FFFF;
	_ =	strace $0x9FFFFFFF  }
0xcd: {  	(tm) =	ssettm $0x7FFFFFFF  }
tec
execute0_lowered:
.L_overlay_start_1:
0x0: {  	(tag) =	ssettag $0x1  }
0x1: {  	s0 =	rddreg [dreg:$0x0]  }
0x2: {  	s1 =	rddreg [dreg:$0x1]  }
0x3: {  	s2 =	rddreg [dreg:$0x2]  }
0x4: {  	s7 =	rddreg [dreg:$0x3]  }
0x5: {  	s3 =	srdreg.scid;
	s8 =	rddreg [dreg:$0x4]  }
0x6: {  	s4 =	stileid.u32;
	s10 =	rddreg [dreg:$0x5]  }
0x7: {  	s18 =	simm.s32 $0x1;
	s9 =	sand.u32 $0x1, s3;
	s3 =	simm.s32 $0x0  }
0x8: {  	s4 =	sshll.u32 s4, $0x9;
	s5 =	sshll.u32 s9, $0x8;
	[smem:$0x7FF] =	sst s3  }
0x9: {  	s26 =	ssub.s32 $0x2, s9;
	s6 =	sor.u32 s5, s4;
	_ =	strace $0x80000047  }
0xa: {  	s4 =	sadd.s32 $0x2800, s1;
	s29 =	sshrl.u32 s26, $0x1;
	s12 =	sshll.u32 s6, $0x5  }
0xb: {  	s5 =	sshrl.u32 s6, $0x3;
	s6 =	sadd.s32 $0xA800, s1;
	s25 =	sadd.s32 s2, s12  }
0xc: {  	s11 =	sadd.s32 s5, s1;
	s28 =	sadd.s32 s7, s12;
	[dreg:$0x8] =	wrdreg s25  }
0xd: {  	s5 =	sadd.s32 $0x6800, s1;
	s30 =	sadd.s32 s8, s12;
	[dreg:$0x9] =	wrdreg s28  }
0xe: {  	v2 =	vlaneseq.u32;
	s2 =	ssub.s32 s26, s29;
	s31 =	sadd.s32 s10, s12;
	[dreg:$0xa] =	wrdreg s30  }
0xf: {  	vm0 =	vmmov $0xffff;
	v1 =	vshrl.u32 v2, $0x3;
	s8 =	simm.s32 $0x2;
	s11 =	sadd.s32 $0xE800, s11;
	[dreg:$0xb] =	wrdreg s31  }
0x10: {  	v0 =	vand.u32 $0x7, v2;
	v2 =	vor.u32 $0x8, v2;
	v1 =	vmul.u32 $0x8, v1;
	s7 =	smax.u32 s2, $0x1;
	s25 =	simm.s32 $0x100;
	[dreg:$0x7] =	wrdreg s11  }
.LBB2_1:
0x11: {  	s19 =	rddreg [dreg:$0x7]  }
0x12: {  	[tilespmem:s3], [sflag:$0x2] =	stream.linear.gather [hbm4b:s19+s3], $0x100, $0x38;
	[tilespmem:$0x10100] =	vst v63  }
0x13: {  	_ =	swait.ge [sflag:s8], $0x100  }
0x14: {  	[sflag:s8] =	ssyncset.done $0x0  }
0x15: {  	[sflag:s8] =	ssyncadd.s32 $0xFFFFFF00  }
0x16: {  	v3 =	vld [tilespmem:$0x0];
	_ =	sdelay $0x4  }
0x17: {  	v4 =	vshll.u32 v3, $0x1  }
0x18: {  	v3 =	vand.u32 $0x7, v3;
	v4 =	vand.u32 $0xFFFFFFF0, v4  }
0x19: {  	v3 =	vor.u32 v3, v4  }
0x1a: {  	v4 =	vperm.xlane v3, v0;
	_ =	sdelay $0x1  }
0x1b: {  	v3 =	vperm.xlane v3, v2;
	v4 =	vadd.s32 v1, v4;
	_ =	sdelay $0x1  }
0x1c: {  	v3 =	vadd.s32 v1, v3;
	_ =	sdelay $0x2  }
0x1d: {  	[tilespmem:s25], [sflag:$0x1] =	stream.indirect_vreg.gather [hbm4b:s0+s3], $0x80, v4, vm0, $0xb8;
	[tilespmem:$0x10100] =	vst v63  }
0x1e: {  	s1 =	simm.s32 $0x900  }
0x1f: {  	[tilespmem:s1], [sflag:$0x1] =	stream.indirect_vreg.gather [hbm4b:s0+s3], $0x80, v3, vm0, $0xb8;
	[tilespmem:$0x10100] =	vst v63  }
0x20: {  	v3 =	vld [tilespmem:$0x10];
	_ =	sdelay $0x4  }
0x21: {  	v57 =	vshll.u32 v3, $0x1  }
0x22: {  	v3 =	vand.u32 $0x7, v3;
	v4 =	vand.u32 $0xFFFFFFF0, v57  }
0x23: {  	v3 =	vor.u32 v3, v4  }
0x24: {  	v4 =	vperm.xlane v3, v0;
	_ =	sdelay $0x1  }
0x25: {  	v3 =	vperm.xlane v3, v2;
	v4 =	vadd.s32 v1, v4;
	_ =	sdelay $0x1  }
0x26: {  	v3 =	vadd.s32 v1, v3;
	_ =	sdelay $0x1  }
0x27: {  	s2 =	simm.s32 $0x1100  }
0x28: {  	[tilespmem:s2], [sflag:$0x1] =	stream.indirect_vreg.gather [hbm4b:s0+s3], $0x80, v4, vm0, $0xb8;
	[tilespmem:$0x10100] =	vst v63  }
0x29: {  	s9 =	simm.s32 $0x1900  }
0x2a: {  	[tilespmem:s9], [sflag:$0x1] =	stream.indirect_vreg.gather [hbm4b:s0+s3], $0x80, v3, vm0, $0xb8;
	[tilespmem:$0x10100] =	vst v63  }
0x2b: {  	v3 =	vld [tilespmem:$0x20];
	_ =	sdelay $0x4  }
0x2c: {  	v58 =	vshll.u32 v3, $0x1  }
0x2d: {  	v3 =	vand.u32 $0x7, v3;
	v4 =	vand.u32 $0xFFFFFFF0, v58  }
0x2e: {  	v3 =	vor.u32 v3, v4  }
0x2f: {  	v4 =	vperm.xlane v3, v0;
	_ =	sdelay $0x1  }
0x30: {  	v3 =	vperm.xlane v3, v2;
	v4 =	vadd.s32 v1, v4;
	_ =	sdelay $0x1  }
0x31: {  	v3 =	vadd.s32 v1, v3;
	_ =	sdelay $0x1  }
0x32: {  	s10 =	simm.s32 $0x2100  }
0x33: {  	[tilespmem:s10], [sflag:$0x1] =	stream.indirect_vreg.gather [hbm4b:s0+s3], $0x80, v4, vm0, $0xb8;
	[tilespmem:$0x10100] =	vst v63  }
0x34: {  	s11 =	simm.s32 $0x2900  }
0x35: {  	[tilespmem:s11], [sflag:$0x1] =	stream.indirect_vreg.gather [hbm4b:s0+s3], $0x80, v3, vm0, $0xb8;
	[tilespmem:$0x10100] =	vst v63  }
0x36: {  	v3 =	vld [tilespmem:$0x30];
	_ =	sdelay $0x4  }
0x37: {  	v59 =	vshll.u32 v3, $0x1  }
0x38: {  	v3 =	vand.u32 $0x7, v3;
	v4 =	vand.u32 $0xFFFFFFF0, v59  }
0x39: {  	v3 =	vor.u32 v3, v4  }
0x3a: {  	v4 =	vperm.xlane v3, v0;
	_ =	sdelay $0x1  }
0x3b: {  	v3 =	vperm.xlane v3, v2;
	v4 =	vadd.s32 v1, v4;
	_ =	sdelay $0x1  }
0x3c: {  	v3 =	vadd.s32 v1, v3;
	_ =	sdelay $0x1  }
0x3d: {  	s12 =	simm.s32 $0x3100  }
0x3e: {  	[tilespmem:s12], [sflag:$0x1] =	stream.indirect_vreg.gather [hbm4b:s0+s3], $0x80, v4, vm0, $0xb8;
	[tilespmem:$0x10100] =	vst v63  }
0x3f: {  	s15 =	simm.s32 $0x3900  }
0x40: {  	[tilespmem:s15], [sflag:$0x1] =	stream.indirect_vreg.gather [hbm4b:s0+s3], $0x80, v3, vm0, $0xb8;
	[tilespmem:$0x10100] =	vst v63  }
0x41: {  	v3 =	vld [tilespmem:$0x40];
	_ =	sdelay $0x4  }
0x42: {  	v60 =	vshll.u32 v3, $0x1  }
0x43: {  	v3 =	vand.u32 $0x7, v3;
	v4 =	vand.u32 $0xFFFFFFF0, v60  }
0x44: {  	v3 =	vor.u32 v3, v4  }
0x45: {  	v4 =	vperm.xlane v3, v0;
	_ =	sdelay $0x1  }
0x46: {  	v3 =	vperm.xlane v3, v2;
	v4 =	vadd.s32 v1, v4;
	_ =	sdelay $0x1  }
0x47: {  	v3 =	vadd.s32 v1, v3;
	_ =	sdelay $0x1  }
0x48: {  	s16 =	simm.s32 $0x4100  }
0x49: {  	[tilespmem:s16], [sflag:$0x1] =	stream.indirect_vreg.gather [hbm4b:s0+s3], $0x80, v4, vm0, $0xb8;
	[tilespmem:$0x10100] =	vst v63  }
0x4a: {  	s17 =	simm.s32 $0x4900  }
0x4b: {  	[tilespmem:s17], [sflag:$0x1] =	stream.indirect_vreg.gather [hbm4b:s0+s3], $0x80, v3, vm0, $0xb8;
	[tilespmem:$0x10100] =	vst v63  }
0x4c: {  	v3 =	vld [tilespmem:$0x50];
	_ =	sdelay $0x4  }
0x4d: {  	v61 =	vshll.u32 v3, $0x1  }
0x4e: {  	v3 =	vand.u32 $0x7, v3;
	v4 =	vand.u32 $0xFFFFFFF0, v61  }
0x4f: {  	v3 =	vor.u32 v3, v4  }
0x50: {  	v4 =	vperm.xlane v3, v0;
	_ =	sdelay $0x1  }
0x51: {  	v3 =	vperm.xlane v3, v2;
	v4 =	vadd.s32 v1, v4;
	_ =	sdelay $0x1  }
0x52: {  	v3 =	vadd.s32 v1, v3;
	_ =	sdelay $0x1  }
0x53: {  	s19 =	simm.s32 $0x5100  }
0x54: {  	[tilespmem:s19], [sflag:$0x1] =	stream.indirect_vreg.gather [hbm4b:s0+s3], $0x80, v4, vm0, $0xb8;
	[tilespmem:$0x10100] =	vst v63  }
0x55: {  	s20 =	simm.s32 $0x5900  }
0x56: {  	[tilespmem:s20], [sflag:$0x1] =	stream.indirect_vreg.gather [hbm4b:s0+s3], $0x80, v3, vm0, $0xb8;
	[tilespmem:$0x10100] =	vst v63  }
0x57: {  	v3 =	vld [tilespmem:$0x60];
	_ =	sdelay $0x4  }
0x58: {  	v62 =	vshll.u32 v3, $0x1  }
0x59: {  	v3 =	vand.u32 $0x7, v3;
	v4 =	vand.u32 $0xFFFFFFF0, v62  }
0x5a: {  	v3 =	vor.u32 v3, v4  }
0x5b: {  	v4 =	vperm.xlane v3, v0;
	_ =	sdelay $0x1  }
0x5c: {  	v3 =	vperm.xlane v3, v2;
	v4 =	vadd.s32 v1, v4;
	_ =	sdelay $0x1  }
0x5d: {  	v3 =	vadd.s32 v1, v3;
	_ =	sdelay $0x1  }
0x5e: {  	s21 =	simm.s32 $0x6100  }
0x5f: {  	[tilespmem:s21], [sflag:$0x1] =	stream.indirect_vreg.gather [hbm4b:s0+s3], $0x80, v4, vm0, $0xb8;
	[tilespmem:$0x10100] =	vst v63  }
0x60: {  	s22 =	simm.s32 $0x6900  }
0x61: {  	[tilespmem:s22], [sflag:$0x1] =	stream.indirect_vreg.gather [hbm4b:s0+s3], $0x80, v3, vm0, $0xb8;
	[tilespmem:$0x10100] =	vst v63  }
0x62: {  	v3 =	vld [tilespmem:$0x70];
	_ =	sdelay $0x4  }
0x63: {  	v63 =	vshll.u32 v3, $0x1  }
0x64: {  	v3 =	vand.u32 $0x7, v3;
	v4 =	vand.u32 $0xFFFFFFF0, v63  }
0x65: {  	v3 =	vor.u32 v3, v4  }
0x66: {  	v4 =	vperm.xlane v3, v0;
	_ =	sdelay $0x1  }
0x67: {  	v3 =	vperm.xlane v3, v2;
	v4 =	vadd.s32 v1, v4;
	_ =	sdelay $0x1  }
0x68: {  	v3 =	vadd.s32 v1, v3;
	_ =	sdelay $0x1  }
0x69: {  	s23 =	simm.s32 $0x7100  }
0x6a: {  	[tilespmem:s23], [sflag:$0x1] =	stream.indirect_vreg.gather [hbm4b:s0+s3], $0x80, v4, vm0, $0xb8;
	[tilespmem:$0x10100] =	vst v63  }
0x6b: {  	s24 =	simm.s32 $0x7900  }
0x6c: {  	[tilespmem:s24], [sflag:$0x1] =	stream.indirect_vreg.gather [hbm4b:s0+s3], $0x80, v3, vm0, $0xb8;
	[tilespmem:$0x10100] =	vst v63  }
0x6d: {  	v3 =	vld [tilespmem:$0x80];
	_ =	sdelay $0x4  }
0x6e: {  	v8 =	vshll.u32 v3, $0x1  }
0x6f: {  	v3 =	vand.u32 $0x7, v3;
	v4 =	vand.u32 $0xFFFFFFF0, v8  }
0x70: {  	v3 =	vor.u32 v3, v4  }
0x71: {  	v4 =	vperm.xlane v3, v0;
	_ =	sdelay $0x1  }
0x72: {  	v3 =	vperm.xlane v3, v2;
	v4 =	vadd.s32 v1, v4;
	_ =	sdelay $0x1  }
0x73: {  	v3 =	vadd.s32 v1, v3;
	_ =	sdelay $0x1  }
0x74: {  	s26 =	simm.s32 $0x8100  }
0x75: {  	[tilespmem:s26], [sflag:$0x1] =	stream.indirect_vreg.gather [hbm4b:s0+s3], $0x80, v4, vm0, $0xb8;
	[tilespmem:$0x10100] =	vst v63  }
0x76: {  	s28 =	simm.s32 $0x8900  }
0x77: {  	[tilespmem:s28], [sflag:$0x1] =	stream.indirect_vreg.gather [hbm4b:s0+s3], $0x80, v3, vm0, $0xb8;
	[tilespmem:$0x10100] =	vst v63  }
0x78: {  	v3 =	vld [tilespmem:$0x90];
	_ =	sdelay $0x4  }
0x79: {  	v9 =	vshll.u32 v3, $0x1  }
0x7a: {  	v3 =	vand.u32 $0x7, v3;
	v4 =	vand.u32 $0xFFFFFFF0, v9  }
0x7b: {  	v3 =	vor.u32 v3, v4  }
0x7c: {  	v4 =	vperm.xlane v3, v0;
	_ =	sdelay $0x1  }
0x7d: {  	v3 =	vperm.xlane v3, v2;
	v4 =	vadd.s32 v1, v4;
	_ =	sdelay $0x1  }
0x7e: {  	v3 =	vadd.s32 v1, v3;
	_ =	sdelay $0x1  }
0x7f: {  	s29 =	simm.s32 $0x9100  }
0x80: {  	[tilespmem:s29], [sflag:$0x1] =	stream.indirect_vreg.gather [hbm4b:s0+s3], $0x80, v4, vm0, $0xb8;
	[tilespmem:$0x10100] =	vst v63  }
0x81: {  	s30 =	simm.s32 $0x9900  }
0x82: {  	[tilespmem:s30], [sflag:$0x1] =	stream.indirect_vreg.gather [hbm4b:s0+s3], $0x80, v3, vm0, $0xb8;
	[tilespmem:$0x10100] =	vst v63  }
0x83: {  	v3 =	vld [tilespmem:$0xA0];
	_ =	sdelay $0x4  }
0x84: {  	v10 =	vshll.u32 v3, $0x1  }
0x85: {  	v3 =	vand.u32 $0x7, v3;
	v4 =	vand.u32 $0xFFFFFFF0, v10  }
0x86: {  	v3 =	vor.u32 v3, v4  }
0x87: {  	v4 =	vperm.xlane v3, v0;
	_ =	sdelay $0x1  }
0x88: {  	v3 =	vperm.xlane v3, v2;
	v4 =	vadd.s32 v1, v4;
	_ =	sdelay $0x1  }
0x89: {  	v3 =	vadd.s32 v1, v3;
	_ =	sdelay $0x1  }
0x8a: {  	s31 =	simm.s32 $0xA100  }
0x8b: {  	[tilespmem:s31], [sflag:$0x1] =	stream.indirect_vreg.gather [hbm4b:s0+s3], $0x80, v4, vm0, $0xb8;
	[tilespmem:$0x10100] =	vst v63  }
0x8c: {  	s15 =	simm.s32 $0xA900  }
0x8d: {  	[tilespmem:s15], [sflag:$0x1] =	stream.indirect_vreg.gather [hbm4b:s0+s3], $0x80, v3, vm0, $0xb8;
	[tilespmem:$0x10100] =	vst v63  }
0x8e: {  	v3 =	vld [tilespmem:$0xB0];
	_ =	sdelay $0x4  }
0x8f: {  	v11 =	vshll.u32 v3, $0x1  }
0x90: {  	v3 =	vand.u32 $0x7, v3;
	v4 =	vand.u32 $0xFFFFFFF0, v11  }
0x91: {  	v3 =	vor.u32 v3, v4  }
0x92: {  	v4 =	vperm.xlane v3, v0;
	_ =	sdelay $0x1  }
0x93: {  	v3 =	vperm.xlane v3, v2;
	v4 =	vadd.s32 v1, v4;
	_ =	sdelay $0x1  }
0x94: {  	v3 =	vadd.s32 v1, v3;
	_ =	sdelay $0x1  }
0x95: {  	s16 =	simm.s32 $0xB100  }
0x96: {  	[tilespmem:s16], [sflag:$0x1] =	stream.indirect_vreg.gather [hbm4b:s0+s3], $0x80, v4, vm0, $0xb8;
	[tilespmem:$0x10100] =	vst v63  }
0x97: {  	s17 =	simm.s32 $0xB900  }
0x98: {  	[tilespmem:s17], [sflag:$0x1] =	stream.indirect_vreg.gather [hbm4b:s0+s3], $0x80, v3, vm0, $0xb8;
	[tilespmem:$0x10100] =	vst v63  }
0x99: {  	v3 =	vld [tilespmem:$0xC0];
	_ =	sdelay $0x4  }
0x9a: {  	v12 =	vshll.u32 v3, $0x1  }
0x9b: {  	v3 =	vand.u32 $0x7, v3;
	v4 =	vand.u32 $0xFFFFFFF0, v12  }
0x9c: {  	v3 =	vor.u32 v3, v4  }
0x9d: {  	v4 =	vperm.xlane v3, v0;
	_ =	sdelay $0x1  }
0x9e: {  	v3 =	vperm.xlane v3, v2;
	v4 =	vadd.s32 v1, v4;
	_ =	sdelay $0x1  }
0x9f: {  	v3 =	vadd.s32 v1, v3;
	_ =	sdelay $0x1  }
0xa0: {  	s20 =	simm.s32 $0xC100  }
0xa1: {  	[tilespmem:s20], [sflag:$0x1] =	stream.indirect_vreg.gather [hbm4b:s0+s3], $0x80, v4, vm0, $0xb8;
	[tilespmem:$0x10100] =	vst v63  }
0xa2: {  	s21 =	simm.s32 $0xC900  }
0xa3: {  	[tilespmem:s21], [sflag:$0x1] =	stream.indirect_vreg.gather [hbm4b:s0+s3], $0x80, v3, vm0, $0xb8;
	[tilespmem:$0x10100] =	vst v63  }
0xa4: {  	v3 =	vld [tilespmem:$0xD0];
	_ =	sdelay $0x4  }
0xa5: {  	v13 =	vshll.u32 v3, $0x1  }
0xa6: {  	v3 =	vand.u32 $0x7, v3;
	v4 =	vand.u32 $0xFFFFFFF0, v13  }
0xa7: {  	v3 =	vor.u32 v3, v4  }
0xa8: {  	v4 =	vperm.xlane v3, v0;
	_ =	sdelay $0x1  }
0xa9: {  	v3 =	vperm.xlane v3, v2;
	v4 =	vadd.s32 v1, v4;
	_ =	sdelay $0x1  }
0xaa: {  	v3 =	vadd.s32 v1, v3;
	_ =	sdelay $0x1  }
0xab: {  	s23 =	simm.s32 $0xD100  }
0xac: {  	[tilespmem:s23], [sflag:$0x1] =	stream.indirect_vreg.gather [hbm4b:s0+s3], $0x80, v4, vm0, $0xb8;
	[tilespmem:$0x10100] =	vst v63  }
0xad: {  	s24 =	simm.s32 $0xD900  }
0xae: {  	[tilespmem:s24], [sflag:$0x1] =	stream.indirect_vreg.gather [hbm4b:s0+s3], $0x80, v3, vm0, $0xb8;
	[tilespmem:$0x10100] =	vst v63  }
0xaf: {  	v3 =	vld [tilespmem:$0xE0];
	_ =	sdelay $0x4  }
0xb0: {  	v14 =	vshll.u32 v3, $0x1  }
0xb1: {  	v3 =	vand.u32 $0x7, v3;
	v4 =	vand.u32 $0xFFFFFFF0, v14  }
0xb2: {  	v3 =	vor.u32 v3, v4  }
0xb3: {  	v4 =	vperm.xlane v3, v0;
	_ =	sdelay $0x1  }
0xb4: {  	v3 =	vperm.xlane v3, v2;
	v4 =	vadd.s32 v1, v4;
	_ =	sdelay $0x1  }
0xb5: {  	v3 =	vadd.s32 v1, v3;
	_ =	sdelay $0x1  }
0xb6: {  	s26 =	simm.s32 $0xE100  }
0xb7: {  	[tilespmem:s26], [sflag:$0x1] =	stream.indirect_vreg.gather [hbm4b:s0+s3], $0x80, v4, vm0, $0xb8;
	[tilespmem:$0x10100] =	vst v63  }
0xb8: {  	s30 =	simm.s32 $0xE900  }
0xb9: {  	[tilespmem:s30], [sflag:$0x1] =	stream.indirect_vreg.gather [hbm4b:s0+s3], $0x80, v3, vm0, $0xb8;
	[tilespmem:$0x10100] =	vst v63  }
0xba: {  	v3 =	vld [tilespmem:$0xF0];
	_ =	sdelay $0x4  }
0xbb: {  	v15 =	vshll.u32 v3, $0x1  }
0xbc: {  	v3 =	vand.u32 $0x7, v3;
	v4 =	vand.u32 $0xFFFFFFF0, v15  }
0xbd: {  	v3 =	vor.u32 v3, v4  }
0xbe: {  	v4 =	vperm.xlane v3, v0;
	_ =	sdelay $0x1  }
0xbf: {  	v3 =	vperm.xlane v3, v2;
	v4 =	vadd.s32 v1, v4;
	_ =	sdelay $0x1  }
0xc0: {  	v3 =	vadd.s32 v1, v3;
	_ =	sdelay $0x1  }
0xc1: {  	s1 =	simm.s32 $0xF100  }
0xc2: {  	[tilespmem:s1], [sflag:$0x1] =	stream.indirect_vreg.gather [hbm4b:s0+s3], $0x80, v4, vm0, $0xb8;
	[tilespmem:$0x10100] =	vst v63  }
0xc3: {  	s15 =	simm.s32 $0xF900  }
0xc4: {  	[tilespmem:s15], [sflag:$0x1] =	stream.indirect_vreg.gather [hbm4b:s0+s3], $0x80, v3, vm0, $0xb8;
	[tilespmem:$0x10100] =	vst v63  }
0xc5: {  	_ =	swait.ge [sflag:s18], $0x10000  }
0xc6: {  	[sflag:s18] =	ssyncset.done $0x0  }
0xc7: {  	s16 =	rddreg [dreg:$0x8];
	[sflag:s18] =	ssyncadd.s32 $0xFFFF0000  }
0xc8: {  	[hbm4b:s16+s3] =	stream.linear.scatter [tilespmem:s25], [sflag:$0x2], $0x10000, $0x38;
	[tilespmem:$0x10100] =	vst v63  }
0xc9: {  	_ =	swait.ge [sflag:s8], $0x10000  }
0xca: {  	[sflag:s8] =	ssyncset.done $0x0  }
0xcb: {  	[sflag:s8] =	ssyncadd.s32 $0xFFFF0000  }
0xcc: {  	v3 =	vld [tilespmem:$0x0];
	_ =	sdelay $0x4  }
0xcd: {  	v16 =	vshll.u32 v3, $0x1  }
0xce: {  	v3 =	vand.u32 $0x7, v3;
	v4 =	vand.u32 $0xFFFFFFF0, v16  }
0xcf: {  	v3 =	vor.u32 v3, v4  }
0xd0: {  	v4 =	vperm.xlane v3, v0;
	_ =	sdelay $0x1  }
0xd1: {  	v3 =	vperm.xlane v3, v2;
	v4 =	vadd.s32 v1, v4;
	_ =	sdelay $0x1  }
0xd2: {  	v3 =	vadd.s32 v1, v3;
	_ =	sdelay $0x2  }
0xd3: {  	[tilespmem:s25], [sflag:$0x1] =	stream.indirect_vreg.gather [hbm4b:s4+s3], $0x80, v4, vm0, $0xb8;
	[tilespmem:$0x10100] =	vst v63  }
0xd4: {  	s13 =	simm.s32 $0x900  }
0xd5: {  	[tilespmem:s13], [sflag:$0x1] =	stream.indirect_vreg.gather [hbm4b:s4+s3], $0x80, v3, vm0, $0xb8;
	[tilespmem:$0x10100] =	vst v63  }
0xd6: {  	v3 =	vld [tilespmem:$0x10];
	_ =	sdelay $0x4  }
0xd7: {  	v17 =	vshll.u32 v3, $0x1  }
0xd8: {  	v3 =	vand.u32 $0x7, v3;
	v4 =	vand.u32 $0xFFFFFFF0, v17  }
0xd9: {  	v3 =	vor.u32 v3, v4  }
0xda: {  	v4 =	vperm.xlane v3, v0;
	_ =	sdelay $0x1  }
0xdb: {  	v3 =	vperm.xlane v3, v2;
	v4 =	vadd.s32 v1, v4;
	_ =	sdelay $0x1  }
0xdc: {  	v3 =	vadd.s32 v1, v3;
	_ =	sdelay $0x1  }
0xdd: {  	s2 =	simm.s32 $0x1100  }
0xde: {  	[tilespmem:s2], [sflag:$0x1] =	stream.indirect_vreg.gather [hbm4b:s4+s3], $0x80, v4, vm0, $0xb8;
	[tilespmem:$0x10100] =	vst v63  }
0xdf: {  	s15 =	simm.s32 $0x1900  }
0xe0: {  	[tilespmem:s15], [sflag:$0x1] =	stream.indirect_vreg.gather [hbm4b:s4+s3], $0x80, v3, vm0, $0xb8;
	[tilespmem:$0x10100] =	vst v63  }
0xe1: {  	v3 =	vld [tilespmem:$0x20];
	_ =	sdelay $0x4  }
0xe2: {  	v18 =	vshll.u32 v3, $0x1  }
0xe3: {  	v3 =	vand.u32 $0x7, v3;
	v4 =	vand.u32 $0xFFFFFFF0, v18  }
0xe4: {  	v3 =	vor.u32 v3, v4  }
0xe5: {  	v4 =	vperm.xlane v3, v0;
	_ =	sdelay $0x1  }
0xe6: {  	v3 =	vperm.xlane v3, v2;
	v4 =	vadd.s32 v1, v4;
	_ =	sdelay $0x1  }
0xe7: {  	v3 =	vadd.s32 v1, v3;
	_ =	sdelay $0x1  }
0xe8: {  	s9 =	simm.s32 $0x2100  }
0xe9: {  	[tilespmem:s9], [sflag:$0x1] =	stream.indirect_vreg.gather [hbm4b:s4+s3], $0x80, v4, vm0, $0xb8;
	[tilespmem:$0x10100] =	vst v63  }
0xea: {  	s14 =	simm.s32 $0x2900  }
0xeb: {  	[tilespmem:s14], [sflag:$0x1] =	stream.indirect_vreg.gather [hbm4b:s4+s3], $0x80, v3, vm0, $0xb8;
	[tilespmem:$0x10100] =	vst v63  }
0xec: {  	v3 =	vld [tilespmem:$0x30];
	_ =	sdelay $0x4  }
0xed: {  	v19 =	vshll.u32 v3, $0x1  }
0xee: {  	v3 =	vand.u32 $0x7, v3;
	v4 =	vand.u32 $0xFFFFFFF0, v19  }
0xef: {  	v3 =	vor.u32 v3, v4  }
0xf0: {  	v4 =	vperm.xlane v3, v0;
	_ =	sdelay $0x1  }
0xf1: {  	v3 =	vperm.xlane v3, v2;
	v4 =	vadd.s32 v1, v4;
	_ =	sdelay $0x1  }
0xf2: {  	v3 =	vadd.s32 v1, v3;
	_ =	sdelay $0x1  }
0xf3: {  	s11 =	simm.s32 $0x3100  }
0xf4: {  	[tilespmem:s11], [sflag:$0x1] =	stream.indirect_vreg.gather [hbm4b:s4+s3], $0x80, v4, vm0, $0xb8;
	[tilespmem:$0x10100] =	vst v63  }
0xf5: {  	s30 =	simm.s32 $0x3900  }
0xf6: {  	[tilespmem:s30], [sflag:$0x1] =	stream.indirect_vreg.gather [hbm4b:s4+s3], $0x80, v3, vm0, $0xb8;
	[tilespmem:$0x10100] =	vst v63  }
0xf7: {  	v3 =	vld [tilespmem:$0x40];
	_ =	sdelay $0x4  }
0xf8: {  	v20 =	vshll.u32 v3, $0x1  }
0xf9: {  	v3 =	vand.u32 $0x7, v3;
	v4 =	vand.u32 $0xFFFFFFF0, v20  }
0xfa: {  	v3 =	vor.u32 v3, v4  }
0xfb: {  	v4 =	vperm.xlane v3, v0;
	_ =	sdelay $0x1  }
0xfc: {  	v3 =	vperm.xlane v3, v2;
	v4 =	vadd.s32 v1, v4;
	_ =	sdelay $0x1  }
0xfd: {  	v3 =	vadd.s32 v1, v3;
	_ =	sdelay $0x1  }
0xfe: {  	s12 =	simm.s32 $0x4100  }
0xff: {  	[tilespmem:s12], [sflag:$0x1] =	stream.indirect_vreg.gather [hbm4b:s4+s3], $0x80, v4, vm0, $0xb8;
	[tilespmem:$0x10100] =	vst v63  }
0x100: {  	s24 =	simm.s32 $0x4900  }
0x101: {  	[tilespmem:s24], [sflag:$0x1] =	stream.indirect_vreg.gather [hbm4b:s4+s3], $0x80, v3, vm0, $0xb8;
	[tilespmem:$0x10100] =	vst v63  }
0x102: {  	v3 =	vld [tilespmem:$0x50];
	_ =	sdelay $0x4  }
0x103: {  	v21 =	vshll.u32 v3, $0x1  }
0x104: {  	v3 =	vand.u32 $0x7, v3;
	v4 =	vand.u32 $0xFFFFFFF0, v21  }
0x105: {  	v3 =	vor.u32 v3, v4  }
0x106: {  	v4 =	vperm.xlane v3, v0;
	_ =	sdelay $0x1  }
0x107: {  	v3 =	vperm.xlane v3, v2;
	v4 =	vadd.s32 v1, v4;
	_ =	sdelay $0x1  }
0x108: {  	v3 =	vadd.s32 v1, v3;
	_ =	sdelay $0x1  }
0x109: {  	s14 =	simm.s32 $0x5100  }
0x10a: {  	[tilespmem:s14], [sflag:$0x1] =	stream.indirect_vreg.gather [hbm4b:s4+s3], $0x80, v4, vm0, $0xb8;
	[tilespmem:$0x10100] =	vst v63  }
0x10b: {  	s16 =	simm.s32 $0x5900  }
0x10c: {  	[tilespmem:s16], [sflag:$0x1] =	stream.indirect_vreg.gather [hbm4b:s4+s3], $0x80, v3, vm0, $0xb8;
	[tilespmem:$0x10100] =	vst v63  }
0x10d: {  	v3 =	vld [tilespmem:$0x60];
	_ =	sdelay $0x4  }
0x10e: {  	v22 =	vshll.u32 v3, $0x1  }
0x10f: {  	v3 =	vand.u32 $0x7, v3;
	v4 =	vand.u32 $0xFFFFFFF0, v22  }
0x110: {  	v3 =	vor.u32 v3, v4  }
0x111: {  	v4 =	vperm.xlane v3, v0;
	_ =	sdelay $0x1  }
0x112: {  	v3 =	vperm.xlane v3, v2;
	v4 =	vadd.s32 v1, v4;
	_ =	sdelay $0x1  }
0x113: {  	v3 =	vadd.s32 v1, v3;
	_ =	sdelay $0x1  }
0x114: {  	s1 =	simm.s32 $0x6100  }
0x115: {  	[tilespmem:s1], [sflag:$0x1] =	stream.indirect_vreg.gather [hbm4b:s4+s3], $0x80, v4, vm0, $0xb8;
	[tilespmem:$0x10100] =	vst v63  }
0x116: {  	s10 =	simm.s32 $0x6900  }
0x117: {  	[tilespmem:s10], [sflag:$0x1] =	stream.indirect_vreg.gather [hbm4b:s4+s3], $0x80, v3, vm0, $0xb8;
	[tilespmem:$0x10100] =	vst v63  }
0x118: {  	v3 =	vld [tilespmem:$0x70];
	_ =	sdelay $0x4  }
0x119: {  	v23 =	vshll.u32 v3, $0x1  }
0x11a: {  	v3 =	vand.u32 $0x7, v3;
	v4 =	vand.u32 $0xFFFFFFF0, v23  }
0x11b: {  	v3 =	vor.u32 v3, v4  }
0x11c: {  	v4 =	vperm.xlane v3, v0;
	_ =	sdelay $0x1  }
0x11d: {  	v3 =	vperm.xlane v3, v2;
	v4 =	vadd.s32 v1, v4;
	_ =	sdelay $0x1  }
0x11e: {  	v3 =	vadd.s32 v1, v3;
	_ =	sdelay $0x1  }
0x11f: {  	s2 =	simm.s32 $0x7100  }
0x120: {  	[tilespmem:s2], [sflag:$0x1] =	stream.indirect_vreg.gather [hbm4b:s4+s3], $0x80, v4, vm0, $0xb8;
	[tilespmem:$0x10100] =	vst v63  }
0x121: {  	s11 =	simm.s32 $0x7900  }
0x122: {  	[tilespmem:s11], [sflag:$0x1] =	stream.indirect_vreg.gather [hbm4b:s4+s3], $0x80, v3, vm0, $0xb8;
	[tilespmem:$0x10100] =	vst v63  }
0x123: {  	v3 =	vld [tilespmem:$0x80];
	_ =	sdelay $0x4  }
0x124: {  	v24 =	vshll.u32 v3, $0x1  }
0x125: {  	v3 =	vand.u32 $0x7, v3;
	v4 =	vand.u32 $0xFFFFFFF0, v24  }
0x126: {  	v3 =	vor.u32 v3, v4  }
0x127: {  	v4 =	vperm.xlane v3, v0;
	_ =	sdelay $0x1  }
0x128: {  	v3 =	vperm.xlane v3, v2;
	v4 =	vadd.s32 v1, v4;
	_ =	sdelay $0x1  }
0x129: {  	v3 =	vadd.s32 v1, v3;
	_ =	sdelay $0x1  }
0x12a: {  	s9 =	simm.s32 $0x8100  }
0x12b: {  	[tilespmem:s9], [sflag:$0x1] =	stream.indirect_vreg.gather [hbm4b:s4+s3], $0x80, v4, vm0, $0xb8;
	[tilespmem:$0x10100] =	vst v63  }
0x12c: {  	s12 =	simm.s32 $0x8900  }
0x12d: {  	[tilespmem:s12], [sflag:$0x1] =	stream.indirect_vreg.gather [hbm4b:s4+s3], $0x80, v3, vm0, $0xb8;
	[tilespmem:$0x10100] =	vst v63  }
0x12e: {  	v3 =	vld [tilespmem:$0x90];
	_ =	sdelay $0x4  }
0x12f: {  	v25 =	vshll.u32 v3, $0x1  }
0x130: {  	v3 =	vand.u32 $0x7, v3;
	v4 =	vand.u32 $0xFFFFFFF0, v25  }
0x131: {  	v3 =	vor.u32 v3, v4  }
0x132: {  	v4 =	vperm.xlane v3, v0;
	_ =	sdelay $0x1  }
0x133: {  	v3 =	vperm.xlane v3, v2;
	v4 =	vadd.s32 v1, v4;
	_ =	sdelay $0x1  }
0x134: {  	v3 =	vadd.s32 v1, v3;
	_ =	sdelay $0x1  }
0x135: {  	s10 =	simm.s32 $0x9100  }
0x136: {  	[tilespmem:s10], [sflag:$0x1] =	stream.indirect_vreg.gather [hbm4b:s4+s3], $0x80, v4, vm0, $0xb8;
	[tilespmem:$0x10100] =	vst v63  }
0x137: {  	s13 =	simm.s32 $0x9900  }
0x138: {  	[tilespmem:s13], [sflag:$0x1] =	stream.indirect_vreg.gather [hbm4b:s4+s3], $0x80, v3, vm0, $0xb8;
	[tilespmem:$0x10100] =	vst v63  }
0x139: {  	v3 =	vld [tilespmem:$0xA0];
	_ =	sdelay $0x4  }
0x13a: {  	v26 =	vshll.u32 v3, $0x1  }
0x13b: {  	v3 =	vand.u32 $0x7, v3;
	v4 =	vand.u32 $0xFFFFFFF0, v26  }
0x13c: {  	v3 =	vor.u32 v3, v4  }
0x13d: {  	v4 =	vperm.xlane v3, v0;
	_ =	sdelay $0x1  }
0x13e: {  	v3 =	vperm.xlane v3, v2;
	v4 =	vadd.s32 v1, v4;
	_ =	sdelay $0x1  }
0x13f: {  	v3 =	vadd.s32 v1, v3;
	_ =	sdelay $0x1  }
0x140: {  	s28 =	simm.s32 $0xA100  }
0x141: {  	[tilespmem:s28], [sflag:$0x1] =	stream.indirect_vreg.gather [hbm4b:s4+s3], $0x80, v4, vm0, $0xb8;
	[tilespmem:$0x10100] =	vst v63  }
0x142: {  	s22 =	simm.s32 $0xA900  }
0x143: {  	[tilespmem:s22], [sflag:$0x1] =	stream.indirect_vreg.gather [hbm4b:s4+s3], $0x80, v3, vm0, $0xb8;
	[tilespmem:$0x10100] =	vst v63  }
0x144: {  	v3 =	vld [tilespmem:$0xB0];
	_ =	sdelay $0x4  }
0x145: {  	v27 =	vshll.u32 v3, $0x1  }
0x146: {  	v3 =	vand.u32 $0x7, v3;
	v4 =	vand.u32 $0xFFFFFFF0, v27  }
0x147: {  	v3 =	vor.u32 v3, v4  }
0x148: {  	v4 =	vperm.xlane v3, v0;
	_ =	sdelay $0x1  }
0x149: {  	v3 =	vperm.xlane v3, v2;
	v4 =	vadd.s32 v1, v4;
	_ =	sdelay $0x1  }
0x14a: {  	v3 =	vadd.s32 v1, v3;
	_ =	sdelay $0x1  }
0x14b: {  	s29 =	simm.s32 $0xB100  }
0x14c: {  	[tilespmem:s29], [sflag:$0x1] =	stream.indirect_vreg.gather [hbm4b:s4+s3], $0x80, v4, vm0, $0xb8;
	[tilespmem:$0x10100] =	vst v63  }
0x14d: {  	s17 =	simm.s32 $0xB900  }
0x14e: {  	[tilespmem:s17], [sflag:$0x1] =	stream.indirect_vreg.gather [hbm4b:s4+s3], $0x80, v3, vm0, $0xb8;
	[tilespmem:$0x10100] =	vst v63  }
0x14f: {  	v3 =	vld [tilespmem:$0xC0];
	_ =	sdelay $0x4  }
0x150: {  	v28 =	vshll.u32 v3, $0x1  }
0x151: {  	v3 =	vand.u32 $0x7, v3;
	v4 =	vand.u32 $0xFFFFFFF0, v28  }
0x152: {  	v3 =	vor.u32 v3, v4  }
0x153: {  	v4 =	vperm.xlane v3, v0;
	_ =	sdelay $0x1  }
0x154: {  	v3 =	vperm.xlane v3, v2;
	v4 =	vadd.s32 v1, v4;
	_ =	sdelay $0x1  }
0x155: {  	v3 =	vadd.s32 v1, v3;
	_ =	sdelay $0x1  }
0x156: {  	s31 =	simm.s32 $0xC100  }
0x157: {  	[tilespmem:s31], [sflag:$0x1] =	stream.indirect_vreg.gather [hbm4b:s4+s3], $0x80, v4, vm0, $0xb8;
	[tilespmem:$0x10100] =	vst v63  }
0x158: {  	s20 =	simm.s32 $0xC900  }
0x159: {  	[tilespmem:s20], [sflag:$0x1] =	stream.indirect_vreg.gather [hbm4b:s4+s3], $0x80, v3, vm0, $0xb8;
	[tilespmem:$0x10100] =	vst v63  }
0x15a: {  	v3 =	vld [tilespmem:$0xD0];
	_ =	sdelay $0x4  }
0x15b: {  	v29 =	vshll.u32 v3, $0x1  }
0x15c: {  	v3 =	vand.u32 $0x7, v3;
	v4 =	vand.u32 $0xFFFFFFF0, v29  }
0x15d: {  	v3 =	vor.u32 v3, v4  }
0x15e: {  	v4 =	vperm.xlane v3, v0;
	_ =	sdelay $0x1  }
0x15f: {  	v3 =	vperm.xlane v3, v2;
	v4 =	vadd.s32 v1, v4;
	_ =	sdelay $0x1  }
0x160: {  	v3 =	vadd.s32 v1, v3;
	_ =	sdelay $0x1  }
0x161: {  	s20 =	simm.s32 $0xD100  }
0x162: {  	[tilespmem:s20], [sflag:$0x1] =	stream.indirect_vreg.gather [hbm4b:s4+s3], $0x80, v4, vm0, $0xb8;
	[tilespmem:$0x10100] =	vst v63  }
0x163: {  	s21 =	simm.s32 $0xD900  }
0x164: {  	[tilespmem:s21], [sflag:$0x1] =	stream.indirect_vreg.gather [hbm4b:s4+s3], $0x80, v3, vm0, $0xb8;
	[tilespmem:$0x10100] =	vst v63  }
0x165: {  	v3 =	vld [tilespmem:$0xE0];
	_ =	sdelay $0x4  }
0x166: {  	v30 =	vshll.u32 v3, $0x1  }
0x167: {  	v3 =	vand.u32 $0x7, v3;
	v4 =	vand.u32 $0xFFFFFFF0, v30  }
0x168: {  	v3 =	vor.u32 v3, v4  }
0x169: {  	v4 =	vperm.xlane v3, v0;
	_ =	sdelay $0x1  }
0x16a: {  	v3 =	vperm.xlane v3, v2;
	v4 =	vadd.s32 v1, v4;
	_ =	sdelay $0x1  }
0x16b: {  	v3 =	vadd.s32 v1, v3;
	_ =	sdelay $0x1  }
0x16c: {  	s21 =	simm.s32 $0xE100  }
0x16d: {  	[tilespmem:s21], [sflag:$0x1] =	stream.indirect_vreg.gather [hbm4b:s4+s3], $0x80, v4, vm0, $0xb8;
	[tilespmem:$0x10100] =	vst v63  }
0x16e: {  	s23 =	simm.s32 $0xE900  }
0x16f: {  	[tilespmem:s23], [sflag:$0x1] =	stream.indirect_vreg.gather [hbm4b:s4+s3], $0x80, v3, vm0, $0xb8;
	[tilespmem:$0x10100] =	vst v63  }
0x170: {  	v3 =	vld [tilespmem:$0xF0];
	_ =	sdelay $0x4  }
0x171: {  	v31 =	vshll.u32 v3, $0x1  }
0x172: {  	v3 =	vand.u32 $0x7, v3;
	v4 =	vand.u32 $0xFFFFFFF0, v31  }
0x173: {  	v3 =	vor.u32 v3, v4  }
0x174: {  	v4 =	vperm.xlane v3, v0;
	_ =	sdelay $0x1  }
0x175: {  	v3 =	vperm.xlane v3, v2;
	v4 =	vadd.s32 v1, v4;
	_ =	sdelay $0x1  }
0x176: {  	v3 =	vadd.s32 v1, v3;
	_ =	sdelay $0x1  }
0x177: {  	s23 =	simm.s32 $0xF100  }
0x178: {  	[tilespmem:s23], [sflag:$0x1] =	stream.indirect_vreg.gather [hbm4b:s4+s3], $0x80, v4, vm0, $0xb8;
	[tilespmem:$0x10100] =	vst v63  }
0x179: {  	s26 =	simm.s32 $0xF900  }
0x17a: {  	[tilespmem:s26], [sflag:$0x1] =	stream.indirect_vreg.gather [hbm4b:s4+s3], $0x80, v3, vm0, $0xb8;
	[tilespmem:$0x10100] =	vst v63  }
0x17b: {  	_ =	swait.ge [sflag:s18], $0x10000  }
0x17c: {  	[sflag:s18] =	ssyncset.done $0x0  }
0x17d: {  	s20 =	rddreg [dreg:$0x9];
	[sflag:s18] =	ssyncadd.s32 $0xFFFF0000  }
0x17e: {  	[hbm4b:s20+s3] =	stream.linear.scatter [tilespmem:s25], [sflag:$0x2], $0x10000, $0x38;
	[tilespmem:$0x10100] =	vst v63  }
0x17f: {  	_ =	swait.ge [sflag:s8], $0x10000  }
0x180: {  	[sflag:s8] =	ssyncset.done $0x0  }
0x181: {  	[sflag:s8] =	ssyncadd.s32 $0xFFFF0000  }
0x182: {  	v3 =	vld [tilespmem:$0x0];
	_ =	sdelay $0x4  }
0x183: {  	v32 =	vshll.u32 v3, $0x1  }
0x184: {  	v3 =	vand.u32 $0x7, v3;
	v4 =	vand.u32 $0xFFFFFFF0, v32  }
0x185: {  	v3 =	vor.u32 v3, v4  }
0x186: {  	v4 =	vperm.xlane v3, v0;
	_ =	sdelay $0x1  }
0x187: {  	v3 =	vperm.xlane v3, v2;
	v4 =	vadd.s32 v1, v4;
	_ =	sdelay $0x1  }
0x188: {  	v3 =	vadd.s32 v1, v3;
	_ =	sdelay $0x2  }
0x189: {  	[tilespmem:s25], [sflag:$0x1] =	stream.indirect_vreg.gather [hbm4b:s5+s3], $0x80, v4, vm0, $0xb8;
	[tilespmem:$0x10100] =	vst v63  }
0x18a: {  	s26 =	simm.s32 $0x900  }
0x18b: {  	[tilespmem:s26], [sflag:$0x1] =	stream.indirect_vreg.gather [hbm4b:s5+s3], $0x80, v3, vm0, $0xb8;
	[tilespmem:$0x10100] =	vst v63  }
0x18c: {  	v3 =	vld [tilespmem:$0x10];
	_ =	sdelay $0x4  }
0x18d: {  	v33 =	vshll.u32 v3, $0x1  }
0x18e: {  	v3 =	vand.u32 $0x7, v3;
	v4 =	vand.u32 $0xFFFFFFF0, v33  }
0x18f: {  	v3 =	vor.u32 v3, v4  }
0x190: {  	v4 =	vperm.xlane v3, v0;
	_ =	sdelay $0x1  }
0x191: {  	v3 =	vperm.xlane v3, v2;
	v4 =	vadd.s32 v1, v4;
	_ =	sdelay $0x1  }
0x192: {  	v3 =	vadd.s32 v1, v3;
	_ =	sdelay $0x1  }
0x193: {  	s20 =	simm.s32 $0x1100  }
0x194: {  	[tilespmem:s20], [sflag:$0x1] =	stream.indirect_vreg.gather [hbm4b:s5+s3], $0x80, v4, vm0, $0xb8;
	[tilespmem:$0x10100] =	vst v63  }
0x195: {  	_ = 	snop  }
0x196: {  	[tilespmem:s15], [sflag:$0x1] =	stream.indirect_vreg.gather [hbm4b:s5+s3], $0x80, v3, vm0, $0xb8;
	[tilespmem:$0x10100] =	vst v63  }
0x197: {  	v3 =	vld [tilespmem:$0x20];
	_ =	sdelay $0x4  }
0x198: {  	v34 =	vshll.u32 v3, $0x1  }
0x199: {  	v3 =	vand.u32 $0x7, v3;
	v4 =	vand.u32 $0xFFFFFFF0, v34  }
0x19a: {  	v3 =	vor.u32 v3, v4  }
0x19b: {  	v4 =	vperm.xlane v3, v0;
	_ =	sdelay $0x1  }
0x19c: {  	v3 =	vperm.xlane v3, v2;
	v4 =	vadd.s32 v1, v4;
	_ =	sdelay $0x1  }
0x19d: {  	v3 =	vadd.s32 v1, v3;
	_ =	sdelay $0x1  }
0x19e: {  	s26 =	simm.s32 $0x2100  }
0x19f: {  	[tilespmem:s26], [sflag:$0x1] =	stream.indirect_vreg.gather [hbm4b:s5+s3], $0x80, v4, vm0, $0xb8;
	[tilespmem:$0x10100] =	vst v63  }
0x1a0: {  	s20 =	simm.s32 $0x2900  }
0x1a1: {  	[tilespmem:s20], [sflag:$0x1] =	stream.indirect_vreg.gather [hbm4b:s5+s3], $0x80, v3, vm0, $0xb8;
	[tilespmem:$0x10100] =	vst v63  }
0x1a2: {  	v3 =	vld [tilespmem:$0x30];
	_ =	sdelay $0x4  }
0x1a3: {  	v35 =	vshll.u32 v3, $0x1  }
0x1a4: {  	v3 =	vand.u32 $0x7, v3;
	v4 =	vand.u32 $0xFFFFFFF0, v35  }
0x1a5: {  	v3 =	vor.u32 v3, v4  }
0x1a6: {  	v4 =	vperm.xlane v3, v0;
	_ =	sdelay $0x1  }
0x1a7: {  	v3 =	vperm.xlane v3, v2;
	v4 =	vadd.s32 v1, v4;
	_ =	sdelay $0x1  }
0x1a8: {  	v3 =	vadd.s32 v1, v3;
	_ =	sdelay $0x1  }
0x1a9: {  	s26 =	simm.s32 $0x3100  }
0x1aa: {  	[tilespmem:s26], [sflag:$0x1] =	stream.indirect_vreg.gather [hbm4b:s5+s3], $0x80, v4, vm0, $0xb8;
	[tilespmem:$0x10100] =	vst v63  }
0x1ab: {  	_ = 	snop  }
0x1ac: {  	[tilespmem:s30], [sflag:$0x1] =	stream.indirect_vreg.gather [hbm4b:s5+s3], $0x80, v3, vm0, $0xb8;
	[tilespmem:$0x10100] =	vst v63  }
0x1ad: {  	v3 =	vld [tilespmem:$0x40];
	_ =	sdelay $0x4  }
0x1ae: {  	v36 =	vshll.u32 v3, $0x1  }
0x1af: {  	v3 =	vand.u32 $0x7, v3;
	v4 =	vand.u32 $0xFFFFFFF0, v36  }
0x1b0: {  	v3 =	vor.u32 v3, v4  }
0x1b1: {  	v4 =	vperm.xlane v3, v0;
	_ =	sdelay $0x1  }
0x1b2: {  	v3 =	vperm.xlane v3, v2;
	v4 =	vadd.s32 v1, v4;
	_ =	sdelay $0x1  }
0x1b3: {  	v3 =	vadd.s32 v1, v3;
	_ =	sdelay $0x1  }
0x1b4: {  	s30 =	simm.s32 $0x4100  }
0x1b5: {  	[tilespmem:s30], [sflag:$0x1] =	stream.indirect_vreg.gather [hbm4b:s5+s3], $0x80, v4, vm0, $0xb8;
	[tilespmem:$0x10100] =	vst v63  }
0x1b6: {  	_ = 	snop  }
0x1b7: {  	[tilespmem:s24], [sflag:$0x1] =	stream.indirect_vreg.gather [hbm4b:s5+s3], $0x80, v3, vm0, $0xb8;
	[tilespmem:$0x10100] =	vst v63  }
0x1b8: {  	v3 =	vld [tilespmem:$0x50];
	_ =	sdelay $0x4  }
0x1b9: {  	v37 =	vshll.u32 v3, $0x1  }
0x1ba: {  	v3 =	vand.u32 $0x7, v3;
	v4 =	vand.u32 $0xFFFFFFF0, v37  }
0x1bb: {  	v3 =	vor.u32 v3, v4  }
0x1bc: {  	v4 =	vperm.xlane v3, v0;
	_ =	sdelay $0x1  }
0x1bd: {  	v3 =	vperm.xlane v3, v2;
	v4 =	vadd.s32 v1, v4;
	_ =	sdelay $0x1  }
0x1be: {  	v3 =	vadd.s32 v1, v3;
	_ =	sdelay $0x2  }
0x1bf: {  	[tilespmem:s14], [sflag:$0x1] =	stream.indirect_vreg.gather [hbm4b:s5+s3], $0x80, v4, vm0, $0xb8;
	[tilespmem:$0x10100] =	vst v63  }
0x1c0: {  	_ = 	snop  }
0x1c1: {  	[tilespmem:s16], [sflag:$0x1] =	stream.indirect_vreg.gather [hbm4b:s5+s3], $0x80, v3, vm0, $0xb8;
	[tilespmem:$0x10100] =	vst v63  }
0x1c2: {  	v3 =	vld [tilespmem:$0x60];
	_ =	sdelay $0x4  }
0x1c3: {  	v38 =	vshll.u32 v3, $0x1  }
0x1c4: {  	v3 =	vand.u32 $0x7, v3;
	v4 =	vand.u32 $0xFFFFFFF0, v38  }
0x1c5: {  	v3 =	vor.u32 v3, v4  }
0x1c6: {  	v4 =	vperm.xlane v3, v0;
	_ =	sdelay $0x1  }
0x1c7: {  	v3 =	vperm.xlane v3, v2;
	v4 =	vadd.s32 v1, v4;
	_ =	sdelay $0x1  }
0x1c8: {  	v3 =	vadd.s32 v1, v3;
	_ =	sdelay $0x2  }
0x1c9: {  	[tilespmem:s1], [sflag:$0x1] =	stream.indirect_vreg.gather [hbm4b:s5+s3], $0x80, v4, vm0, $0xb8;
	[tilespmem:$0x10100] =	vst v63  }
0x1ca: {  	s20 =	simm.s32 $0x6900  }
0x1cb: {  	[tilespmem:s20], [sflag:$0x1] =	stream.indirect_vreg.gather [hbm4b:s5+s3], $0x80, v3, vm0, $0xb8;
	[tilespmem:$0x10100] =	vst v63  }
0x1cc: {  	v3 =	vld [tilespmem:$0x70];
	_ =	sdelay $0x4  }
0x1cd: {  	v39 =	vshll.u32 v3, $0x1  }
0x1ce: {  	v3 =	vand.u32 $0x7, v3;
	v4 =	vand.u32 $0xFFFFFFF0, v39  }
0x1cf: {  	v3 =	vor.u32 v3, v4  }
0x1d0: {  	v4 =	vperm.xlane v3, v0;
	_ =	sdelay $0x1  }
0x1d1: {  	v3 =	vperm.xlane v3, v2;
	v4 =	vadd.s32 v1, v4;
	_ =	sdelay $0x1  }
0x1d2: {  	v3 =	vadd.s32 v1, v3;
	_ =	sdelay $0x2  }
0x1d3: {  	[tilespmem:s2], [sflag:$0x1] =	stream.indirect_vreg.gather [hbm4b:s5+s3], $0x80, v4, vm0, $0xb8;
	[tilespmem:$0x10100] =	vst v63  }
0x1d4: {  	_ = 	snop  }
0x1d5: {  	[tilespmem:s11], [sflag:$0x1] =	stream.indirect_vreg.gather [hbm4b:s5+s3], $0x80, v3, vm0, $0xb8;
	[tilespmem:$0x10100] =	vst v63  }
0x1d6: {  	v3 =	vld [tilespmem:$0x80];
	_ =	sdelay $0x4  }
0x1d7: {  	v40 =	vshll.u32 v3, $0x1  }
0x1d8: {  	v3 =	vand.u32 $0x7, v3;
	v4 =	vand.u32 $0xFFFFFFF0, v40  }
0x1d9: {  	v3 =	vor.u32 v3, v4  }
0x1da: {  	v4 =	vperm.xlane v3, v0;
	_ =	sdelay $0x1  }
0x1db: {  	v3 =	vperm.xlane v3, v2;
	v4 =	vadd.s32 v1, v4;
	_ =	sdelay $0x1  }
0x1dc: {  	v3 =	vadd.s32 v1, v3;
	_ =	sdelay $0x2  }
0x1dd: {  	[tilespmem:s9], [sflag:$0x1] =	stream.indirect_vreg.gather [hbm4b:s5+s3], $0x80, v4, vm0, $0xb8;
	[tilespmem:$0x10100] =	vst v63  }
0x1de: {  	_ = 	snop  }
0x1df: {  	[tilespmem:s12], [sflag:$0x1] =	stream.indirect_vreg.gather [hbm4b:s5+s3], $0x80, v3, vm0, $0xb8;
	[tilespmem:$0x10100] =	vst v63  }
0x1e0: {  	v3 =	vld [tilespmem:$0x90];
	_ =	sdelay $0x4  }
0x1e1: {  	v41 =	vshll.u32 v3, $0x1  }
0x1e2: {  	v3 =	vand.u32 $0x7, v3;
	v4 =	vand.u32 $0xFFFFFFF0, v41  }
0x1e3: {  	v3 =	vor.u32 v3, v4  }
0x1e4: {  	v4 =	vperm.xlane v3, v0;
	_ =	sdelay $0x1  }
0x1e5: {  	v3 =	vperm.xlane v3, v2;
	v4 =	vadd.s32 v1, v4;
	_ =	sdelay $0x1  }
0x1e6: {  	v3 =	vadd.s32 v1, v3;
	_ =	sdelay $0x2  }
0x1e7: {  	[tilespmem:s10], [sflag:$0x1] =	stream.indirect_vreg.gather [hbm4b:s5+s3], $0x80, v4, vm0, $0xb8;
	[tilespmem:$0x10100] =	vst v63  }
0x1e8: {  	_ = 	snop  }
0x1e9: {  	[tilespmem:s13], [sflag:$0x1] =	stream.indirect_vreg.gather [hbm4b:s5+s3], $0x80, v3, vm0, $0xb8;
	[tilespmem:$0x10100] =	vst v63  }
0x1ea: {  	v3 =	vld [tilespmem:$0xA0];
	_ =	sdelay $0x4  }
0x1eb: {  	v42 =	vshll.u32 v3, $0x1  }
0x1ec: {  	v3 =	vand.u32 $0x7, v3;
	v4 =	vand.u32 $0xFFFFFFF0, v42  }
0x1ed: {  	v3 =	vor.u32 v3, v4  }
0x1ee: {  	v4 =	vperm.xlane v3, v0;
	_ =	sdelay $0x1  }
0x1ef: {  	v3 =	vperm.xlane v3, v2;
	v4 =	vadd.s32 v1, v4;
	_ =	sdelay $0x1  }
0x1f0: {  	v3 =	vadd.s32 v1, v3;
	_ =	sdelay $0x1  }
0x1f1: {  	s28 =	simm.s32 $0xA100  }
0x1f2: {  	[tilespmem:s28], [sflag:$0x1] =	stream.indirect_vreg.gather [hbm4b:s5+s3], $0x80, v4, vm0, $0xb8;
	[tilespmem:$0x10100] =	vst v63  }
0x1f3: {  	s30 =	simm.s32 $0xA900  }
0x1f4: {  	[tilespmem:s30], [sflag:$0x1] =	stream.indirect_vreg.gather [hbm4b:s5+s3], $0x80, v3, vm0, $0xb8;
	[tilespmem:$0x10100] =	vst v63  }
0x1f5: {  	v3 =	vld [tilespmem:$0xB0];
	_ =	sdelay $0x4  }
0x1f6: {  	v43 =	vshll.u32 v3, $0x1  }
0x1f7: {  	v3 =	vand.u32 $0x7, v3;
	v4 =	vand.u32 $0xFFFFFFF0, v43  }
0x1f8: {  	v3 =	vor.u32 v3, v4  }
0x1f9: {  	v4 =	vperm.xlane v3, v0;
	_ =	sdelay $0x1  }
0x1fa: {  	v3 =	vperm.xlane v3, v2;
	v4 =	vadd.s32 v1, v4;
	_ =	sdelay $0x1  }
0x1fb: {  	v3 =	vadd.s32 v1, v3;
	_ =	sdelay $0x1  }
0x1fc: {  	s22 =	simm.s32 $0xB100  }
0x1fd: {  	[tilespmem:s22], [sflag:$0x1] =	stream.indirect_vreg.gather [hbm4b:s5+s3], $0x80, v4, vm0, $0xb8;
	[tilespmem:$0x10100] =	vst v63  }
0x1fe: {  	s29 =	simm.s32 $0xB900  }
0x1ff: {  	[tilespmem:s29], [sflag:$0x1] =	stream.indirect_vreg.gather [hbm4b:s5+s3], $0x80, v3, vm0, $0xb8;
	[tilespmem:$0x10100] =	vst v63  }
0x200: {  	v3 =	vld [tilespmem:$0xC0];
	_ =	sdelay $0x4  }
0x201: {  	v44 =	vshll.u32 v3, $0x1  }
0x202: {  	v3 =	vand.u32 $0x7, v3;
	v4 =	vand.u32 $0xFFFFFFF0, v44  }
0x203: {  	v3 =	vor.u32 v3, v4  }
0x204: {  	v4 =	vperm.xlane v3, v0;
	_ =	sdelay $0x1  }
0x205: {  	v3 =	vperm.xlane v3, v2;
	v4 =	vadd.s32 v1, v4;
	_ =	sdelay $0x1  }
0x206: {  	v3 =	vadd.s32 v1, v3;
	_ =	sdelay $0x1  }
0x207: {  	s17 =	simm.s32 $0xC100  }
0x208: {  	[tilespmem:s17], [sflag:$0x1] =	stream.indirect_vreg.gather [hbm4b:s5+s3], $0x80, v4, vm0, $0xb8;
	[tilespmem:$0x10100] =	vst v63  }
0x209: {  	s31 =	simm.s32 $0xC900  }
0x20a: {  	[tilespmem:s31], [sflag:$0x1] =	stream.indirect_vreg.gather [hbm4b:s5+s3], $0x80, v3, vm0, $0xb8;
	[tilespmem:$0x10100] =	vst v63  }
0x20b: {  	v3 =	vld [tilespmem:$0xD0];
	_ =	sdelay $0x4  }
0x20c: {  	v45 =	vshll.u32 v3, $0x1  }
0x20d: {  	v3 =	vand.u32 $0x7, v3;
	v4 =	vand.u32 $0xFFFFFFF0, v45  }
0x20e: {  	v3 =	vor.u32 v3, v4  }
0x20f: {  	v4 =	vperm.xlane v3, v0;
	_ =	sdelay $0x1  }
0x210: {  	v3 =	vperm.xlane v3, v2;
	v4 =	vadd.s32 v1, v4;
	_ =	sdelay $0x1  }
0x211: {  	v3 =	vadd.s32 v1, v3;
	_ =	sdelay $0x1  }
0x212: {  	s31 =	simm.s32 $0xD100  }
0x213: {  	[tilespmem:s31], [sflag:$0x1] =	stream.indirect_vreg.gather [hbm4b:s5+s3], $0x80, v4, vm0, $0xb8;
	[tilespmem:$0x10100] =	vst v63  }
0x214: {  	s19 =	simm.s32 $0xD900  }
0x215: {  	[tilespmem:s19], [sflag:$0x1] =	stream.indirect_vreg.gather [hbm4b:s5+s3], $0x80, v3, vm0, $0xb8;
	[tilespmem:$0x10100] =	vst v63  }
0x216: {  	v3 =	vld [tilespmem:$0xE0];
	_ =	sdelay $0x4  }
0x217: {  	v46 =	vshll.u32 v3, $0x1  }
0x218: {  	v3 =	vand.u32 $0x7, v3;
	v4 =	vand.u32 $0xFFFFFFF0, v46  }
0x219: {  	v3 =	vor.u32 v3, v4  }
0x21a: {  	v4 =	vperm.xlane v3, v0;
	_ =	sdelay $0x1  }
0x21b: {  	v3 =	vperm.xlane v3, v2;
	v4 =	vadd.s32 v1, v4;
	_ =	sdelay $0x1  }
0x21c: {  	v3 =	vadd.s32 v1, v3;
	_ =	sdelay $0x1  }
0x21d: {  	s21 =	simm.s32 $0xE100  }
0x21e: {  	[tilespmem:s21], [sflag:$0x1] =	stream.indirect_vreg.gather [hbm4b:s5+s3], $0x80, v4, vm0, $0xb8;
	[tilespmem:$0x10100] =	vst v63  }
0x21f: {  	s21 =	simm.s32 $0xE900  }
0x220: {  	[tilespmem:s21], [sflag:$0x1] =	stream.indirect_vreg.gather [hbm4b:s5+s3], $0x80, v3, vm0, $0xb8;
	[tilespmem:$0x10100] =	vst v63  }
0x221: {  	v3 =	vld [tilespmem:$0xF0];
	_ =	sdelay $0x4  }
0x222: {  	v47 =	vshll.u32 v3, $0x1  }
0x223: {  	v3 =	vand.u32 $0x7, v3;
	v4 =	vand.u32 $0xFFFFFFF0, v47  }
0x224: {  	v3 =	vor.u32 v3, v4  }
0x225: {  	v4 =	vperm.xlane v3, v0;
	_ =	sdelay $0x1  }
0x226: {  	v3 =	vperm.xlane v3, v2;
	v4 =	vadd.s32 v1, v4;
	_ =	sdelay $0x1  }
0x227: {  	v3 =	vadd.s32 v1, v3;
	_ =	sdelay $0x1  }
0x228: {  	s23 =	simm.s32 $0xF100  }
0x229: {  	[tilespmem:s23], [sflag:$0x1] =	stream.indirect_vreg.gather [hbm4b:s5+s3], $0x80, v4, vm0, $0xb8;
	[tilespmem:$0x10100] =	vst v63  }
0x22a: {  	s23 =	simm.s32 $0xF900  }
0x22b: {  	[tilespmem:s23], [sflag:$0x1] =	stream.indirect_vreg.gather [hbm4b:s5+s3], $0x80, v3, vm0, $0xb8;
	[tilespmem:$0x10100] =	vst v63  }
0x22c: {  	_ =	swait.ge [sflag:s18], $0x10000  }
0x22d: {  	[sflag:s18] =	ssyncset.done $0x0  }
0x22e: {  	s19 =	rddreg [dreg:$0xa];
	[sflag:s18] =	ssyncadd.s32 $0xFFFF0000  }
0x22f: {  	[hbm4b:s19+s3] =	stream.linear.scatter [tilespmem:s25], [sflag:$0x2], $0x10000, $0x38;
	[tilespmem:$0x10100] =	vst v63  }
0x230: {  	_ =	swait.ge [sflag:s8], $0x10000  }
0x231: {  	[sflag:s8] =	ssyncset.done $0x0  }
0x232: {  	[sflag:s8] =	ssyncadd.s32 $0xFFFF0000  }
0x233: {  	v3 =	vld [tilespmem:$0x0];
	_ =	sdelay $0x4  }
0x234: {  	v48 =	vshll.u32 v3, $0x1  }
0x235: {  	v3 =	vand.u32 $0x7, v3;
	v4 =	vand.u32 $0xFFFFFFF0, v48  }
0x236: {  	v3 =	vor.u32 v3, v4  }
0x237: {  	v4 =	vperm.xlane v3, v0;
	_ =	sdelay $0x1  }
0x238: {  	v3 =	vperm.xlane v3, v2;
	v4 =	vadd.s32 v1, v4;
	_ =	sdelay $0x1  }
0x239: {  	v3 =	vadd.s32 v1, v3;
	_ =	sdelay $0x2  }
0x23a: {  	[tilespmem:s25], [sflag:$0x1] =	stream.indirect_vreg.gather [hbm4b:s6+s3], $0x80, v4, vm0, $0xb8;
	[tilespmem:$0x10100] =	vst v63  }
0x23b: {  	s19 =	simm.s32 $0x900  }
0x23c: {  	[tilespmem:s19], [sflag:$0x1] =	stream.indirect_vreg.gather [hbm4b:s6+s3], $0x80, v3, vm0, $0xb8;
	[tilespmem:$0x10100] =	vst v63  }
0x23d: {  	v3 =	vld [tilespmem:$0x10];
	_ =	sdelay $0x4  }
0x23e: {  	v49 =	vshll.u32 v3, $0x1  }
0x23f: {  	v3 =	vand.u32 $0x7, v3;
	v4 =	vand.u32 $0xFFFFFFF0, v49  }
0x240: {  	v3 =	vor.u32 v3, v4  }
0x241: {  	v4 =	vperm.xlane v3, v0;
	_ =	sdelay $0x1  }
0x242: {  	v3 =	vperm.xlane v3, v2;
	v4 =	vadd.s32 v1, v4;
	_ =	sdelay $0x1  }
0x243: {  	v3 =	vadd.s32 v1, v3;
	_ =	sdelay $0x1  }
0x244: {  	s19 =	simm.s32 $0x1100  }
0x245: {  	[tilespmem:s19], [sflag:$0x1] =	stream.indirect_vreg.gather [hbm4b:s6+s3], $0x80, v4, vm0, $0xb8;
	[tilespmem:$0x10100] =	vst v63  }
0x246: {  	s15 =	simm.s32 $0x1900  }
0x247: {  	[tilespmem:s15], [sflag:$0x1] =	stream.indirect_vreg.gather [hbm4b:s6+s3], $0x80, v3, vm0, $0xb8;
	[tilespmem:$0x10100] =	vst v63  }
0x248: {  	v3 =	vld [tilespmem:$0x20];
	_ =	sdelay $0x4  }
0x249: {  	v50 =	vshll.u32 v3, $0x1  }
0x24a: {  	v3 =	vand.u32 $0x7, v3;
	v4 =	vand.u32 $0xFFFFFFF0, v50  }
0x24b: {  	v3 =	vor.u32 v3, v4  }
0x24c: {  	v4 =	vperm.xlane v3, v0;
	_ =	sdelay $0x1  }
0x24d: {  	v3 =	vperm.xlane v3, v2;
	v4 =	vadd.s32 v1, v4;
	_ =	sdelay $0x1  }
0x24e: {  	v3 =	vadd.s32 v1, v3;
	_ =	sdelay $0x1  }
0x24f: {  	s19 =	simm.s32 $0x2100  }
0x250: {  	[tilespmem:s19], [sflag:$0x1] =	stream.indirect_vreg.gather [hbm4b:s6+s3], $0x80, v4, vm0, $0xb8;
	[tilespmem:$0x10100] =	vst v63  }
0x251: {  	s19 =	simm.s32 $0x2900  }
0x252: {  	[tilespmem:s19], [sflag:$0x1] =	stream.indirect_vreg.gather [hbm4b:s6+s3], $0x80, v3, vm0, $0xb8;
	[tilespmem:$0x10100] =	vst v63  }
0x253: {  	v3 =	vld [tilespmem:$0x30];
	_ =	sdelay $0x4  }
0x254: {  	v51 =	vshll.u32 v3, $0x1  }
0x255: {  	v3 =	vand.u32 $0x7, v3;
	v4 =	vand.u32 $0xFFFFFFF0, v51  }
0x256: {  	v3 =	vor.u32 v3, v4  }
0x257: {  	v4 =	vperm.xlane v3, v0;
	_ =	sdelay $0x1  }
0x258: {  	v3 =	vperm.xlane v3, v2;
	v4 =	vadd.s32 v1, v4;
	_ =	sdelay $0x1  }
0x259: {  	v3 =	vadd.s32 v1, v3;
	_ =	sdelay $0x1  }
0x25a: {  	s19 =	simm.s32 $0x3100  }
0x25b: {  	[tilespmem:s19], [sflag:$0x1] =	stream.indirect_vreg.gather [hbm4b:s6+s3], $0x80, v4, vm0, $0xb8;
	[tilespmem:$0x10100] =	vst v63  }
0x25c: {  	s26 =	simm.s32 $0x3900  }
0x25d: {  	[tilespmem:s26], [sflag:$0x1] =	stream.indirect_vreg.gather [hbm4b:s6+s3], $0x80, v3, vm0, $0xb8;
	[tilespmem:$0x10100] =	vst v63  }
0x25e: {  	v3 =	vld [tilespmem:$0x40];
	_ =	sdelay $0x4  }
0x25f: {  	v52 =	vshll.u32 v3, $0x1  }
0x260: {  	v3 =	vand.u32 $0x7, v3;
	v4 =	vand.u32 $0xFFFFFFF0, v52  }
0x261: {  	v3 =	vor.u32 v3, v4  }
0x262: {  	v4 =	vperm.xlane v3, v0;
	_ =	sdelay $0x1  }
0x263: {  	v3 =	vperm.xlane v3, v2;
	v4 =	vadd.s32 v1, v4;
	_ =	sdelay $0x1  }
0x264: {  	v3 =	vadd.s32 v1, v3;
	_ =	sdelay $0x1  }
0x265: {  	s19 =	simm.s32 $0x4100  }
0x266: {  	[tilespmem:s19], [sflag:$0x1] =	stream.indirect_vreg.gather [hbm4b:s6+s3], $0x80, v4, vm0, $0xb8;
	[tilespmem:$0x10100] =	vst v63  }
0x267: {  	s24 =	simm.s32 $0x4900  }
0x268: {  	[tilespmem:s24], [sflag:$0x1] =	stream.indirect_vreg.gather [hbm4b:s6+s3], $0x80, v3, vm0, $0xb8;
	[tilespmem:$0x10100] =	vst v63  }
0x269: {  	v3 =	vld [tilespmem:$0x50];
	_ =	sdelay $0x4  }
0x26a: {  	v53 =	vshll.u32 v3, $0x1  }
0x26b: {  	v3 =	vand.u32 $0x7, v3;
	v4 =	vand.u32 $0xFFFFFFF0, v53  }
0x26c: {  	v3 =	vor.u32 v3, v4  }
0x26d: {  	v4 =	vperm.xlane v3, v0;
	_ =	sdelay $0x1  }
0x26e: {  	v3 =	vperm.xlane v3, v2;
	v4 =	vadd.s32 v1, v4;
	_ =	sdelay $0x1  }
0x26f: {  	v3 =	vadd.s32 v1, v3;
	_ =	sdelay $0x1  }
0x270: {  	s14 =	simm.s32 $0x5100  }
0x271: {  	[tilespmem:s14], [sflag:$0x1] =	stream.indirect_vreg.gather [hbm4b:s6+s3], $0x80, v4, vm0, $0xb8;
	[tilespmem:$0x10100] =	vst v63  }
0x272: {  	s16 =	simm.s32 $0x5900  }
0x273: {  	[tilespmem:s16], [sflag:$0x1] =	stream.indirect_vreg.gather [hbm4b:s6+s3], $0x80, v3, vm0, $0xb8;
	[tilespmem:$0x10100] =	vst v63  }
0x274: {  	v3 =	vld [tilespmem:$0x60];
	_ =	sdelay $0x4  }
0x275: {  	v54 =	vshll.u32 v3, $0x1  }
0x276: {  	v3 =	vand.u32 $0x7, v3;
	v4 =	vand.u32 $0xFFFFFFF0, v54  }
0x277: {  	v3 =	vor.u32 v3, v4  }
0x278: {  	v4 =	vperm.xlane v3, v0;
	_ =	sdelay $0x1  }
0x279: {  	v3 =	vperm.xlane v3, v2;
	v4 =	vadd.s32 v1, v4;
	_ =	sdelay $0x1  }
0x27a: {  	v3 =	vadd.s32 v1, v3;
	_ =	sdelay $0x1  }
0x27b: {  	s1 =	simm.s32 $0x6100  }
0x27c: {  	[tilespmem:s1], [sflag:$0x1] =	stream.indirect_vreg.gather [hbm4b:s6+s3], $0x80, v4, vm0, $0xb8;
	[tilespmem:$0x10100] =	vst v63  }
0x27d: {  	s24 =	simm.s32 $0x6900  }
0x27e: {  	[tilespmem:s24], [sflag:$0x1] =	stream.indirect_vreg.gather [hbm4b:s6+s3], $0x80, v3, vm0, $0xb8;
	[tilespmem:$0x10100] =	vst v63  }
0x27f: {  	v3 =	vld [tilespmem:$0x70];
	_ =	sdelay $0x4  }
0x280: {  	v55 =	vshll.u32 v3, $0x1  }
0x281: {  	v3 =	vand.u32 $0x7, v3;
	v4 =	vand.u32 $0xFFFFFFF0, v55  }
0x282: {  	v3 =	vor.u32 v3, v4  }
0x283: {  	v4 =	vperm.xlane v3, v0;
	_ =	sdelay $0x1  }
0x284: {  	v3 =	vperm.xlane v3, v2;
	v4 =	vadd.s32 v1, v4;
	_ =	sdelay $0x1  }
0x285: {  	v3 =	vadd.s32 v1, v3;
	_ =	sdelay $0x1  }
0x286: {  	s2 =	simm.s32 $0x7100  }
0x287: {  	[tilespmem:s2], [sflag:$0x1] =	stream.indirect_vreg.gather [hbm4b:s6+s3], $0x80, v4, vm0, $0xb8;
	[tilespmem:$0x10100] =	vst v63  }
0x288: {  	s11 =	simm.s32 $0x7900  }
0x289: {  	[tilespmem:s11], [sflag:$0x1] =	stream.indirect_vreg.gather [hbm4b:s6+s3], $0x80, v3, vm0, $0xb8;
	[tilespmem:$0x10100] =	vst v63  }
0x28a: {  	v3 =	vld [tilespmem:$0x80];
	_ =	sdelay $0x4  }
0x28b: {  	v56 =	vshll.u32 v3, $0x1  }
0x28c: {  	v3 =	vand.u32 $0x7, v3;
	v4 =	vand.u32 $0xFFFFFFF0, v56  }
0x28d: {  	v3 =	vor.u32 v3, v4  }
0x28e: {  	v4 =	vperm.xlane v3, v0;
	_ =	sdelay $0x1  }
0x28f: {  	v3 =	vperm.xlane v3, v2;
	v4 =	vadd.s32 v1, v4;
	_ =	sdelay $0x1  }
0x290: {  	v3 =	vadd.s32 v1, v3;
	_ =	sdelay $0x1  }
0x291: {  	s9 =	simm.s32 $0x8100  }
0x292: {  	[tilespmem:s9], [sflag:$0x1] =	stream.indirect_vreg.gather [hbm4b:s6+s3], $0x80, v4, vm0, $0xb8;
	[tilespmem:$0x10100] =	vst v63  }
0x293: {  	s12 =	simm.s32 $0x8900  }
0x294: {  	[tilespmem:s12], [sflag:$0x1] =	stream.indirect_vreg.gather [hbm4b:s6+s3], $0x80, v3, vm0, $0xb8;
	[tilespmem:$0x10100] =	vst v63  }
0x295: {  	v3 =	vld [tilespmem:$0x90];
	_ =	sdelay $0x4  }
0x296: {  	v57 =	vshll.u32 v3, $0x1  }
0x297: {  	v3 =	vand.u32 $0x7, v3;
	v4 =	vand.u32 $0xFFFFFFF0, v57  }
0x298: {  	v3 =	vor.u32 v3, v4  }
0x299: {  	v4 =	vperm.xlane v3, v0;
	_ =	sdelay $0x1  }
0x29a: {  	v3 =	vperm.xlane v3, v2;
	v4 =	vadd.s32 v1, v4;
	_ =	sdelay $0x1  }
0x29b: {  	v3 =	vadd.s32 v1, v3;
	_ =	sdelay $0x1  }
0x29c: {  	s10 =	simm.s32 $0x9100  }
0x29d: {  	[tilespmem:s10], [sflag:$0x1] =	stream.indirect_vreg.gather [hbm4b:s6+s3], $0x80, v4, vm0, $0xb8;
	[tilespmem:$0x10100] =	vst v63  }
0x29e: {  	s13 =	simm.s32 $0x9900  }
0x29f: {  	[tilespmem:s13], [sflag:$0x1] =	stream.indirect_vreg.gather [hbm4b:s6+s3], $0x80, v3, vm0, $0xb8;
	[tilespmem:$0x10100] =	vst v63  }
0x2a0: {  	v3 =	vld [tilespmem:$0xA0];
	_ =	sdelay $0x4  }
0x2a1: {  	v58 =	vshll.u32 v3, $0x1  }
0x2a2: {  	v3 =	vand.u32 $0x7, v3;
	v4 =	vand.u32 $0xFFFFFFF0, v58  }
0x2a3: {  	v3 =	vor.u32 v3, v4  }
0x2a4: {  	v4 =	vperm.xlane v3, v0;
	_ =	sdelay $0x1  }
0x2a5: {  	v3 =	vperm.xlane v3, v2;
	v4 =	vadd.s32 v1, v4;
	_ =	sdelay $0x1  }
0x2a6: {  	v3 =	vadd.s32 v1, v3;
	_ =	sdelay $0x1  }
0x2a7: {  	s20 =	simm.s32 $0xA100  }
0x2a8: {  	[tilespmem:s20], [sflag:$0x1] =	stream.indirect_vreg.gather [hbm4b:s6+s3], $0x80, v4, vm0, $0xb8;
	[tilespmem:$0x10100] =	vst v63  }
0x2a9: {  	s26 =	simm.s32 $0xA900  }
0x2aa: {  	[tilespmem:s26], [sflag:$0x1] =	stream.indirect_vreg.gather [hbm4b:s6+s3], $0x80, v3, vm0, $0xb8;
	[tilespmem:$0x10100] =	vst v63  }
0x2ab: {  	v3 =	vld [tilespmem:$0xB0];
	_ =	sdelay $0x4  }
0x2ac: {  	v59 =	vshll.u32 v3, $0x1  }
0x2ad: {  	v3 =	vand.u32 $0x7, v3;
	v4 =	vand.u32 $0xFFFFFFF0, v59  }
0x2ae: {  	v3 =	vor.u32 v3, v4  }
0x2af: {  	v4 =	vperm.xlane v3, v0;
	_ =	sdelay $0x1  }
0x2b0: {  	v3 =	vperm.xlane v3, v2;
	v4 =	vadd.s32 v1, v4;
	_ =	sdelay $0x1  }
0x2b1: {  	v3 =	vadd.s32 v1, v3;
	_ =	sdelay $0x1  }
0x2b2: {  	s30 =	simm.s32 $0xB100  }
0x2b3: {  	[tilespmem:s30], [sflag:$0x1] =	stream.indirect_vreg.gather [hbm4b:s6+s3], $0x80, v4, vm0, $0xb8;
	[tilespmem:$0x10100] =	vst v63  }
0x2b4: {  	s28 =	simm.s32 $0xB900  }
0x2b5: {  	[tilespmem:s28], [sflag:$0x1] =	stream.indirect_vreg.gather [hbm4b:s6+s3], $0x80, v3, vm0, $0xb8;
	[tilespmem:$0x10100] =	vst v63  }
0x2b6: {  	v3 =	vld [tilespmem:$0xC0];
	_ =	sdelay $0x4  }
0x2b7: {  	v60 =	vshll.u32 v3, $0x1  }
0x2b8: {  	v3 =	vand.u32 $0x7, v3;
	v4 =	vand.u32 $0xFFFFFFF0, v60  }
0x2b9: {  	v3 =	vor.u32 v3, v4  }
0x2ba: {  	v4 =	vperm.xlane v3, v0;
	_ =	sdelay $0x1  }
0x2bb: {  	v3 =	vperm.xlane v3, v2;
	v4 =	vadd.s32 v1, v4;
	_ =	sdelay $0x1  }
0x2bc: {  	v3 =	vadd.s32 v1, v3;
	_ =	sdelay $0x1  }
0x2bd: {  	s22 =	simm.s32 $0xC100  }
0x2be: {  	[tilespmem:s22], [sflag:$0x1] =	stream.indirect_vreg.gather [hbm4b:s6+s3], $0x80, v4, vm0, $0xb8;
	[tilespmem:$0x10100] =	vst v63  }
0x2bf: {  	s29 =	simm.s32 $0xC900  }
0x2c0: {  	[tilespmem:s29], [sflag:$0x1] =	stream.indirect_vreg.gather [hbm4b:s6+s3], $0x80, v3, vm0, $0xb8;
	[tilespmem:$0x10100] =	vst v63  }
0x2c1: {  	v3 =	vld [tilespmem:$0xD0];
	_ =	sdelay $0x4  }
0x2c2: {  	v61 =	vshll.u32 v3, $0x1  }
0x2c3: {  	v3 =	vand.u32 $0x7, v3;
	v4 =	vand.u32 $0xFFFFFFF0, v61  }
0x2c4: {  	v3 =	vor.u32 v3, v4  }
0x2c5: {  	v4 =	vperm.xlane v3, v0;
	_ =	sdelay $0x1  }
0x2c6: {  	v3 =	vperm.xlane v3, v2;
	v4 =	vadd.s32 v1, v4;
	_ =	sdelay $0x1  }
0x2c7: {  	v3 =	vadd.s32 v1, v3;
	_ =	sdelay $0x1  }
0x2c8: {  	s31 =	simm.s32 $0xD100  }
0x2c9: {  	[tilespmem:s31], [sflag:$0x1] =	stream.indirect_vreg.gather [hbm4b:s6+s3], $0x80, v4, vm0, $0xb8;
	[tilespmem:$0x10100] =	vst v63  }
0x2ca: {  	s29 =	simm.s32 $0xD900  }
0x2cb: {  	[tilespmem:s29], [sflag:$0x1] =	stream.indirect_vreg.gather [hbm4b:s6+s3], $0x80, v3, vm0, $0xb8;
	[tilespmem:$0x10100] =	vst v63  }
0x2cc: {  	v3 =	vld [tilespmem:$0xE0];
	_ =	sdelay $0x4  }
0x2cd: {  	v62 =	vshll.u32 v3, $0x1  }
0x2ce: {  	v3 =	vand.u32 $0x7, v3;
	v4 =	vand.u32 $0xFFFFFFF0, v62  }
0x2cf: {  	v3 =	vor.u32 v3, v4  }
0x2d0: {  	v4 =	vperm.xlane v3, v0;
	_ =	sdelay $0x1  }
0x2d1: {  	v3 =	vperm.xlane v3, v2;
	v4 =	vadd.s32 v1, v4;
	_ =	sdelay $0x1  }
0x2d2: {  	v3 =	vadd.s32 v1, v3;
	_ =	sdelay $0x1  }
0x2d3: {  	s17 =	simm.s32 $0xE100  }
0x2d4: {  	[tilespmem:s17], [sflag:$0x1] =	stream.indirect_vreg.gather [hbm4b:s6+s3], $0x80, v4, vm0, $0xb8;
	[tilespmem:$0x10100] =	vst v63  }
0x2d5: {  	s30 =	simm.s32 $0xE900  }
0x2d6: {  	[tilespmem:s30], [sflag:$0x1] =	stream.indirect_vreg.gather [hbm4b:s6+s3], $0x80, v3, vm0, $0xb8;
	[tilespmem:$0x10100] =	vst v63  }
0x2d7: {  	v3 =	vld [tilespmem:$0xF0];
	_ =	sdelay $0x4  }
0x2d8: {  	v63 =	vshll.u32 v3, $0x1  }
0x2d9: {  	v3 =	vand.u32 $0x7, v3;
	v4 =	vand.u32 $0xFFFFFFF0, v63  }
0x2da: {  	v3 =	vor.u32 v3, v4  }
0x2db: {  	v4 =	vperm.xlane v3, v0;
	_ =	sdelay $0x1  }
0x2dc: {  	v3 =	vperm.xlane v3, v2;
	v4 =	vadd.s32 v1, v4;
	_ =	sdelay $0x1  }
0x2dd: {  	v3 =	vadd.s32 v1, v3;
	_ =	sdelay $0x1  }
0x2de: {  	s21 =	simm.s32 $0xF100  }
0x2df: {  	[tilespmem:s21], [sflag:$0x1] =	stream.indirect_vreg.gather [hbm4b:s6+s3], $0x80, v4, vm0, $0xb8;
	[tilespmem:$0x10100] =	vst v63  }
0x2e0: {  	s23 =	simm.s32 $0xF900  }
0x2e1: {  	[tilespmem:s23], [sflag:$0x1] =	stream.indirect_vreg.gather [hbm4b:s6+s3], $0x80, v3, vm0, $0xb8;
	[tilespmem:$0x10100] =	vst v63  }
0x2e2: {  	_ =	swait.ge [sflag:s18], $0x10000  }
0x2e3: {  	p0 =	sne.s32 s7, $0x1;
	[sflag:s18] =	ssyncset.done $0x0  }
.Ltmp0:
0x2e4: {  	s31 =	rddreg [dreg:$0xb];
	[sflag:s18] =	ssyncadd.s32 $0xFFFF0000;
	(pc) =	sbr.rel @p0 .LBB2_1-.Ltmp0, $4  }
0x2e5: {  	[hbm4b:s31+s3] =	stream.linear.scatter [tilespmem:s25], [sflag:$0x2], $0x10000, $0x38;
	[tilespmem:$0x10100] =	vst v63  }
0x2e6: {  	_ =	swait.ge [sflag:s8], $0x10000  }
0x2e7: {  	[sflag:s8] =	ssyncset.done $0x0  }
0x2e8: {  	s7 =	sadd.s32 $0xFFFFFFFF, s7;
	[sflag:s8] =	ssyncadd.s32 $0xFFFF0000  }
0x2e9: {  	_ =	sfence.sel $0x180000  }
0x2ea: {  	[bflag:$0x0] =	sbarrier.arrive $0xFFFF  }
0x2eb: {  	_ =	strace $0x90000047  }
0x2ec: {  	s0 =	stileid.u32;
	[bflag:$0x2] =	sbarrier.arrive $0xFFFF  }
0x2ed: {  	p0 =	sne.s32 s0, $0x0;
	s0 =	rddreg [dreg:$0x6]  }
0x2ee: {  	s0 =	sadd.s32 @!p0 $0x100000, s0  }
0x2ef: {  	[sflag:s0] =	ssyncadd.tile.s32 @!p0 $0x1;
	_ =	shalt  }
.Lfunc_end2:
_tile_overlayer_lowered:
.L_overlay_start_2:
0x2f0: {  	(tag) =	ssettag $0x2  }
0x2f1: {  	s0 =	rddreg [dreg:$0x0];
	s2 =	stileid.u32  }
0x2f2: {  	s1 =	rddreg [dreg:$0x1];
	p0 =	sne.s32 s2, $0x0  }
0x2f3: {  	s3 =	rddreg [dreg:$0x2];
	[bflag:$0x3] =	sbarrier.arrive $0xFFFF;
	s2 =	simm.s32 @!p0 $0x1C02  }
0x2f4: {  	[timem:s3], [sflag:s2] =	dma.local @!p0 [hbm:s0], s1  }
0x2f5: {  	s0 =	simm.s32 @!p0 $0x2  }
0x2f6: {  	_ =	swait.ge @!p0 [sflag:s0], s1  }
0x2f7: {  	s1 =	ssub.s32 @!p0 $0x0, s1;
	[sflag:s0] =	ssyncset.done @!p0 $0x0  }
0x2f8: {  	[sflag:s0] =	ssyncadd.s32 @!p0 s1  }
0x2f9: {  	[bflag:$0x3] =	sbarrier.arrive $0xFFFF  }
0x2fa: {  	_ =	shalt  }

</sc_bundles>
